<compile_context>
chip_gen: v7x
topology: tpu7x:2x2x1
jax: 0.10.2.dev20260603
libtpu: 0.0.44.dev20260713+nightly
codegen_flags: <defaults>
</compile_context>

<pallas_src>
import functools

import jax
import jax.numpy as jnp
from jax import lax
from jax.experimental import pallas as pl
from jax.experimental.pallas import tpu as pltpu
from jax.experimental.pallas import tpu_sc as plsc

_K = 16
_R2 = 16.0
_NC = 2
_NS = 16


def _pick_block(n, cap=512):
    best = 8
    for t in range(8, cap + 1, 8):
        if n % t == 0:
            best = t
    return best


def _mm(a, b):
    return lax.dot_general(a, b, (((1,), (0,)), ((), ())),
                           preferred_element_type=jnp.float32)



def _select_body(tgt_ref, posT_ref, srcM_ref, W1f_ref, W1p_ref,
                 idx_ref, val_ref, F_ref, d2_ref):
    @pl.when(pl.program_id(0) == 0)
    def _():
        srcM = srcM_ref[...]
        F_ref[...] = (_mm(srcM[:, :128], W1f_ref[...])
                      + _mm(srcM[:, 128:131], W1p_ref[...]))

    tgt = tgt_ref[...]
    posT = posT_ref[...]
    d2 = ((tgt[:, 0:1] - posT[0:1, :]) ** 2
          + (tgt[:, 1:2] - posT[1:2, :]) ** 2
          + (tgt[:, 2:3] - posT[2:3, :]) ** 2)
    d2_ref[...] = d2
    iota = lax.broadcasted_iota(jnp.int32, d2.shape, 1)
    T = tgt.shape[0]
    lane_k = lax.broadcasted_iota(jnp.int32, (T, _K), 1)
    nvalid = jnp.sum((d2 <= _R2).astype(jnp.float32), axis=1,
                     keepdims=True)
    val_ref[...] = (lane_k.astype(jnp.float32) < nvalid).astype(jnp.float32)

    big = jnp.int32(1 << 30)

    def extract(d2p):
        m = jnp.min(d2p, axis=1, keepdims=True)
        am = jnp.min(jnp.where(d2p == m, iota, big), axis=1,
                     keepdims=True)
        return am, jnp.where(iota == am, jnp.inf, d2p)

    def step(h, tok):
        am1, d2m = extract(d2_ref[...])
        am2, d2m = extract(d2m)
        idx_ref[...] = jnp.where(
            lane_k == 2 * h, am1,
            jnp.where(lane_k == 2 * h + 1, am2, idx_ref[...]))
        d2_ref[...] = d2m
        return tok

    lax.fori_loop(0, _K // 2, step, 0)


def _select(target, posT, srcM, W1f, W1p):
    n_tgt = target.shape[0]
    n_src = posT.shape[1]
    T = _pick_block(n_tgt)
    fixed = lambda *shape: pl.BlockSpec(shape, lambda i: (0,) * len(shape))
    return pl.pallas_call(
        _select_body,
        grid=(n_tgt // T,),
        in_specs=[
            pl.BlockSpec((T, 3), lambda i: (i, 0)),
            fixed(3, n_src),
            fixed(n_src, srcM.shape[1]),
            fixed(128, 128),
            fixed(3, 128),
        ],
        out_specs=[
            pl.BlockSpec((T, _K), lambda i: (i, 0)),
            pl.BlockSpec((T, _K), lambda i: (i, 0)),
            fixed(n_src, 128),
        ],
        out_shape=[
            jax.ShapeDtypeStruct((n_tgt, _K), jnp.int32),
            jax.ShapeDtypeStruct((n_tgt, _K), jnp.float32),
            jax.ShapeDtypeStruct((n_src, 128), jnp.float32),
        ],
        scratch_shapes=[pltpu.VMEM((T, n_src), jnp.float32)],
    )(target, posT, srcM, W1f, W1p)



def _make_gather(n_edges, d):
    per_w = n_edges // (_NC * _NS)
    ch = 8
    for c in range(8, 129, 8):
        if per_w % c == 0:
            ch = c
    iters = per_w // ch
    mesh = plsc.VectorSubcoreMesh(core_axis_name="c", subcore_axis_name="s")

    @functools.partial(
        pl.kernel, mesh=mesh,
        out_type=jax.ShapeDtypeStruct((n_edges, d), jnp.float32),
        scratch_types=[
            pltpu.VMEM((per_w,), jnp.int32),
            pltpu.VMEM((ch, d), jnp.float32),
            pltpu.SemaphoreType.DMA,
        ],
    )
    def gather(idx_hbm, table_hbm, out_hbm, idx_v, rows_v, sem):
        wid = lax.axis_index("s") * _NC + lax.axis_index("c")
        base = pl.multiple_of(wid * per_w, 8)
        pltpu.sync_copy(idx_hbm.at[pl.ds(base, per_w)], idx_v)

        def step(j, tok):
            off = pl.multiple_of(j * ch, 8)
            pltpu.async_copy(
                table_hbm.at[idx_v.at[pl.ds(off, ch)]], rows_v, sem).wait()
            pltpu.sync_copy(rows_v, out_hbm.at[pl.ds(base + off, ch)])
            return tok

        lax.fori_loop(0, iters, step, 0)

    return gather



def _mlp_body(tgt_ref, gath_ref, val_ref, src_ref, W1p_ref, b1_ref,
              W2_ref, b2_ref, W3_ref, b3_ref,
              pooled_ref, srccopy_ref, anyv_ref):
    tgt = tgt_ref[...]
    T = tgt.shape[0]
    d_out = b3_ref.shape[-1]
    tW1p = _mm(tgt, W1p_ref[...])
    pooled_ref[...] = jnp.full((T, d_out), -jnp.inf, jnp.float32)
    anyv_ref[...] = jnp.zeros((T, 1), jnp.float32)
    for k in range(_K):
        g = gath_ref[k]
        h = jax.nn.relu(g - tW1p + b1_ref[...])
        h = jax.nn.relu(_mm(h, W2_ref[...]) + b2_ref[...])
        h = jax.nn.relu(_mm(h, W3_ref[...]) + b3_ref[...])
        valid = val_ref[:, k:k + 1] > 0.0
        pooled_ref[...] = jnp.maximum(pooled_ref[...],
                                      jnp.where(valid, h, -jnp.inf))
        anyv_ref[...] = jnp.maximum(anyv_ref[...],
                                    valid.astype(jnp.float32))
    pooled_ref[...] = jnp.where(anyv_ref[...] > 0.0, pooled_ref[...], 0.0)

    @pl.when(pl.program_id(0) == 0)
    def _():
        srccopy_ref[...] = src_ref[...]


def _mlp_pool(target, gath, val, src, W1p, b1r, W2, b2r, W3, b3r):
    n_tgt = target.shape[0]
    n_src, width = src.shape
    d_out = b3r.shape[-1]
    T = _pick_block(n_tgt)
    fixed = lambda *shape: pl.BlockSpec(shape, lambda i: (0,) * len(shape))
    return pl.pallas_call(
        _mlp_body,
        grid=(n_tgt // T,),
        in_specs=[
            pl.BlockSpec((T, 3), lambda i: (i, 0)),
            pl.BlockSpec((_K, T, 128), lambda i: (0, i, 0)),
            pl.BlockSpec((T, _K), lambda i: (i, 0)),
            fixed(n_src, width),
            fixed(3, 128),
            fixed(1, 128),
            fixed(*W2.shape),
            fixed(1, W2.shape[1]),
            fixed(*W3.shape),
            fixed(1, d_out),
        ],
        out_specs=[
            pl.BlockSpec((T, d_out), lambda i: (i, 0)),
            fixed(n_src, width),
        ],
        out_shape=[
            jax.ShapeDtypeStruct((n_tgt, d_out), jnp.float32),
            jax.ShapeDtypeStruct((n_src, width), jnp.float32),
        ],
        scratch_shapes=[pltpu.VMEM((T, 1), jnp.float32)],
    )(target, gath, val, src, W1p, b1r, W2, b2r, W3, b3r)


def _forward(src, target, W1, b1, W2, b2, W3, b3):
    n_tgt = target.shape[0]
    posT = jnp.transpose(src[:, :3])
    srcM = jnp.concatenate([src[:, 3:], src[:, :3]], axis=1)
    W1f = W1[:128, :]
    W1p = W1[128:, :]

    idx, val, F = _select(target, posT, srcM, W1f, W1p)
    idx_kmajor = jnp.transpose(idx).reshape(-1)
    gath_flat = _make_gather(_K * n_tgt, 128)(idx_kmajor, F)
    gath = gath_flat.reshape(_K, n_tgt, 128)

    return _mlp_pool(target, gath, val, src, W1p, b1.reshape(1, -1),
                     W2, b2.reshape(1, -1), W3, b3.reshape(1, -1))


def kernel(src, target, W1, b1, W2, b2, W3, b3):
    _, src_out = _forward(src, target, W1, b1, W2, b2, W3, b3)
    return src_out

# --- scband reference (transcript-rebuilt; emitter-appended) ---
"""Pipeline reference for scband-flow-refinement-net-54554674593995 (READ-ONLY COPY).

The authoritative reference and input builder live on the scoring server;
editing this copy changes nothing except your own understanding.
"""

import jax, jax.numpy as jnp
import numpy as np

K = 16
R = 4.0
CHUNK = 1000


def setup_inputs(seed: int = 0) -> dict:
    key = jax.random.key(seed)
    ks = jax.random.split(key, 8)
    src = jax.random.normal(ks[0], (5000, 131), dtype=jnp.float32)
    target = jax.random.normal(ks[1], (20000, 3), dtype=jnp.float32)
    W1 = jax.random.normal(ks[2], (131, 128), dtype=jnp.float32) * 0.05
    b1 = jnp.zeros((128,), jnp.float32)
    W2 = jax.random.normal(ks[3], (128, 128), dtype=jnp.float32) * 0.05
    b2 = jnp.zeros((128,), jnp.float32)
    W3 = jax.random.normal(ks[4], (128, 256), dtype=jnp.float32) * 0.05
    b3 = jnp.zeros((256,), jnp.float32)
    return {"src": src, "target": target, "W1": W1, "b1": b1, "W2": W2, "b2": b2, "W3": W3, "b3": b3}


def _setup_conv(src, target, W1, b1, W2, b2, W3, b3):
    # SetUpConvLayer (FlowNet3D): for each fine target point, gather k nearest
    # coarse src points within radius r, concat [src_feat, rel_pos], run MLP,
    # max-pool over neighbors.
    pos_src = src[:, :3]
    feat_src = src[:, 3:]
    n_tgt = target.shape[0]
    tgt_chunks = target.reshape(n_tgt // CHUNK, CHUNK, 3)

    def per_chunk(tpos):
        d2 = jnp.sum((tpos[:, None, :] - pos_src[None, :, :]) ** 2, axis=-1)  # [CHUNK, N_src]
        neg, idx = jax.lax.top_k(-d2, K)
        d2k = -neg
        valid = d2k <= R * R
        nf = feat_src[idx]                        # gather [CHUNK, K, 128]
        rel = pos_src[idx] - tpos[:, None, :]     # gather [CHUNK, K, 3]
        h = jnp.concatenate([nf, rel], axis=-1)   # [CHUNK, K, 131]
        h = jax.nn.relu(h @ W1 + b1)
        h = jax.nn.relu(h @ W2 + b2)
        h = jax.nn.relu(h @ W3 + b3)
        h = jnp.where(valid[:, :, None], h, -jnp.inf)
        pooled = jnp.max(h, axis=1)
        pooled = jnp.where(jnp.any(valid, axis=1)[:, None], pooled, 0.0)
        return pooled

    x = jax.lax.map(per_chunk, tgt_chunks)
    return x.reshape(n_tgt, -1)


def reference(src, target, W1, b1, W2, b2, W3, b3):
    # Faithful to the torch forward: runs setup_conv_1(src, target), prints
    # shapes (side effect only), then returns src unchanged.
    x = _setup_conv(src, target, W1, b1, W2, b2, W3, b3)
    _ = x
    return src

if __name__ == "__main__":
    import jax
    _d = setup_inputs()
    print(jax.jit(kernel)(*tuple(_d.values())))

</pallas_src>

<mosaic_0001>
#map = affine_map<(d0, d1) -> (0)>
#map1 = affine_map<(d0, d1) -> (0, 0)>
module attributes {stable_mosaic.version = 14 : i64} {
  func.func @gather(%arg0: i32, %arg1: i32, %arg2: memref<320000xi32, #tpu.memory_space<hbm>>, %arg3: memref<5000x128xf32, #tpu.memory_space<hbm>>, %arg4: memref<320000x128xf32, #tpu.memory_space<hbm>>, %arg5: memref<10000xi32, #tpu.memory_space<vmem>>, %arg6: memref<80x128xf32, #tpu.memory_space<vmem>>, %arg7: memref<!tpu.dma_semaphore, #tpu.memory_space<semaphore_mem>>) attributes {dimension_semantics = [#tpu.dimension_semantics<core_parallel>, #tpu.dimension_semantics<subcore_parallel>], iteration_bounds = array<i64: 2, 16>, scalar_prefetch = 0 : i64, scratch_operands = 3 : i64, tpu.core_type = #tpu.core_type<sc_vector_subcore>, window_params = [{transform_indices = #map}, {transform_indices = #map1}, {transform_indices = #map1}]} {
    %mul3A = arith.constant 2 : i32
    %mul3A_0 = arith.muli %arg1, %mul3A : i32
    %add3A = arith.addi %mul3A_0, %arg0 : i32
    %mul3A_1 = arith.constant 10000 : i32
    %mul3A_2 = arith.muli %add3A, %mul3A_1 : i32
    %multiple_of3A = tpu.assume_multiple %mul3A_2, 8 : i32
    "tpu.region"() ({
      %run_scoped3A = tpu.sem_alloc : memref<!tpu.dma_semaphore, #tpu.memory_space<semaphore_mem>>
      %dma_start3A = tpu.memref_slice %arg2[%multiple_of3A] : memref<320000xi32, #tpu.memory_space<hbm>> -> memref<10000xi32, #tpu.memory_space<hbm>>
      %dma_start3A_8 = tpu.memref_slice %arg2[%multiple_of3A] : memref<320000xi32, #tpu.memory_space<hbm>> -> memref<10000xi32, #tpu.memory_space<hbm>>
      tpu.enqueue_dma source(%dma_start3A_8 : memref<10000xi32, #tpu.memory_space<hbm>>) target(%arg5 : memref<10000xi32, #tpu.memory_space<vmem>>) target_semaphore(%run_scoped3A : memref<!tpu.dma_semaphore, #tpu.memory_space<semaphore_mem>>)
      %dma_wait3A = tpu.memref_slice %arg2[%multiple_of3A] : memref<320000xi32, #tpu.memory_space<hbm>> -> memref<10000xi32, #tpu.memory_space<hbm>>
      %dma_wait3A_9 = tpu.memref_slice %arg2[%multiple_of3A] : memref<320000xi32, #tpu.memory_space<hbm>> -> memref<10000xi32, #tpu.memory_space<hbm>>
      tpu.wait_dma2 semaphore(%run_scoped3A : memref<!tpu.dma_semaphore, #tpu.memory_space<semaphore_mem>>) src(%dma_wait3A_9 : memref<10000xi32, #tpu.memory_space<hbm>>) dst(%arg5 : memref<10000xi32, #tpu.memory_space<vmem>>)
      tpu.yield
    }) : () -> ()
    %scan3A = arith.constant 0 : i32
    %scan3A_3 = arith.constant 0 : i32
    %scan3A_4 = arith.constant 125 : i32
    %scan3A_5 = arith.addi %scan3A_3, %scan3A_4 : i32
    %scan3A_6 = arith.constant 1 : i32
    scf.for %scan3A_8 = %scan3A_3 to %scan3A_5 step %scan3A_6  : i32 {
      %mul3A_9 = arith.constant 80 : i32
      %mul3A_10 = arith.muli %scan3A_8, %mul3A_9 : i32
      %multiple_of3A_11 = tpu.assume_multiple %mul3A_10, 8 : i32
      %dma_start3A = tpu.memref_slice %arg5[%multiple_of3A_11] : memref<10000xi32, #tpu.memory_space<vmem>> -> memref<80xi32, #tpu.memory_space<vmem>>
      %dma_start3A_12 = arith.constant 0 : i32
      %dma_start3A_13 = arith.constant 0 : i32
      %dma_start3A_14 = tpu.memref_slice %arg3[%dma_start3A_12, %dma_start3A_13] : memref<5000x128xf32, #tpu.memory_space<hbm>> -> memref<5000x128xf32, #tpu.memory_space<hbm>>
      tpu.enqueue_indirect_dma source(%dma_start3A_14 : memref<5000x128xf32, #tpu.memory_space<hbm>>) target(%arg6 : memref<80x128xf32, #tpu.memory_space<vmem>>) offsets(%dma_start3A : memref<80xi32, #tpu.memory_space<vmem>>) semaphore(%arg7 : memref<!tpu.dma_semaphore, #tpu.memory_space<semaphore_mem>>)
      %dma_wait3A = tpu.memref_slice %arg5[%multiple_of3A_11] : memref<10000xi32, #tpu.memory_space<vmem>> -> memref<80xi32, #tpu.memory_space<vmem>>
      %dma_wait3A_15 = arith.constant 0 : i32
      %dma_wait3A_16 = arith.constant 0 : i32
      %dma_wait3A_17 = tpu.memref_slice %arg3[%dma_wait3A_15, %dma_wait3A_16] : memref<5000x128xf32, #tpu.memory_space<hbm>> -> memref<5000x128xf32, #tpu.memory_space<hbm>>
      tpu.wait_indirect_dma semaphore(%arg7 : memref<!tpu.dma_semaphore, #tpu.memory_space<semaphore_mem>>) src(%dma_wait3A_17 : memref<5000x128xf32, #tpu.memory_space<hbm>>) dst(%arg6 : memref<80x128xf32, #tpu.memory_space<vmem>>)
      %add3A_18 = arith.addi %multiple_of3A, %multiple_of3A_11 : i32
      "tpu.region"() ({
        %run_scoped3A = tpu.sem_alloc : memref<!tpu.dma_semaphore, #tpu.memory_space<semaphore_mem>>
        %dma_start3A_19 = arith.constant 0 : i32
        %dma_start3A_20 = tpu.memref_slice %arg4[%add3A_18, %dma_start3A_19] : memref<320000x128xf32, #tpu.memory_space<hbm>> -> memref<80x128xf32, #tpu.memory_space<hbm>>
        %dma_start3A_21 = arith.constant 0 : i32
        %dma_start3A_22 = tpu.memref_slice %arg4[%add3A_18, %dma_start3A_21] : memref<320000x128xf32, #tpu.memory_space<hbm>> -> memref<80x128xf32, #tpu.memory_space<hbm>>
        tpu.enqueue_dma source(%arg6 : memref<80x128xf32, #tpu.memory_space<vmem>>) target(%dma_start3A_22 : memref<80x128xf32, #tpu.memory_space<hbm>>) target_semaphore(%run_scoped3A : memref<!tpu.dma_semaphore, #tpu.memory_space<semaphore_mem>>)
        %dma_wait3A_23 = arith.constant 0 : i32
        %dma_wait3A_24 = tpu.memref_slice %arg4[%add3A_18, %dma_wait3A_23] : memref<320000x128xf32, #tpu.memory_space<hbm>> -> memref<80x128xf32, #tpu.memory_space<hbm>>
        %dma_wait3A_25 = arith.constant 0 : i32
        %dma_wait3A_26 = tpu.memref_slice %arg4[%add3A_18, %dma_wait3A_25] : memref<320000x128xf32, #tpu.memory_space<hbm>> -> memref<80x128xf32, #tpu.memory_space<hbm>>
        tpu.wait_dma2 semaphore(%run_scoped3A : memref<!tpu.dma_semaphore, #tpu.memory_space<semaphore_mem>>) src(%arg6 : memref<80x128xf32, #tpu.memory_space<vmem>>) dst(%dma_wait3A_26 : memref<80x128xf32, #tpu.memory_space<hbm>>)
        tpu.yield
      }) : () -> ()
    }
    %scan3A_7 = arith.constant 125 : i32
    return
  }
}

module attributes {stable_mosaic.version = 14 : i64} {
  func.func @_select_body(%arg0: i32, %arg1: memref<400x3xf32, #tpu.memory_space<vmem>>, %arg2: memref<3x5000xf32, #tpu.memory_space<vmem>>, %arg3: memref<5000x131xf32, #tpu.memory_space<vmem>>, %arg4: memref<128x128xf32, #tpu.memory_space<vmem>>, %arg5: memref<3x128xf32, #tpu.memory_space<vmem>>, %arg6: memref<400x16xi32, #tpu.memory_space<vmem>>, %arg7: memref<400x16xf32, #tpu.memory_space<vmem>>, %arg8: memref<5000x128xf32, #tpu.memory_space<vmem>>, %arg9: memref<400x5000xf32, #tpu.memory_space<vmem>>) attributes {dimension_semantics = [#tpu.dimension_semantics<arbitrary>], iteration_bounds = array<i64: 50>, scalar_prefetch = 0 : i64, scratch_operands = 1 : i64, tpu.core_type = #tpu.core_type<tc>, window_params = [{transform_indices = @transform_0, window_bounds = array<i64: 400, 3>}, {pipeline_mode = #tpu.pipeline_mode<synchronous>, transform_indices = @transform_1, window_bounds = array<i64: 3, 5000>}, {pipeline_mode = #tpu.pipeline_mode<synchronous>, transform_indices = @transform_2, window_bounds = array<i64: 5000, 131>}, {pipeline_mode = #tpu.pipeline_mode<synchronous>, transform_indices = @transform_3, window_bounds = array<i64: 128, 128>}, {pipeline_mode = #tpu.pipeline_mode<synchronous>, transform_indices = @transform_4, window_bounds = array<i64: 3, 128>}, {transform_indices = @transform_5, window_bounds = array<i64: 400, 16>}, {transform_indices = @transform_6, window_bounds = array<i64: 400, 16>}, {pipeline_mode = #tpu.pipeline_mode<synchronous>, transform_indices = @transform_7, window_bounds = array<i64: 5000, 128>}]} {
    %eq3A = arith.constant 0 : i32
    %eq3A_0 = arith.cmpi eq, %arg0, %eq3A : i32
    %convert_element_type3A = arith.extui %eq3A_0 : i1 to i32
    %cond3A = arith.constant 0 : i32
    %cond3A_1 = arith.cmpi ne, %convert_element_type3A, %cond3A : i32
    scf.if %cond3A_1 {
      %get3A_43 = arith.constant 0 : index
      %get3A_44 = arith.constant 0 : index
      %get3A_45 = vector.load %arg3[%get3A_43, %get3A_44] : memref<5000x131xf32, #tpu.memory_space<vmem>>, vector<5000x131xf32>
      %slice3A_46 = vector.extract_strided_slice %get3A_45 {offsets = [0, 0], sizes = [5000, 128], strides = [1, 1]} : vector<5000x131xf32> to vector<5000x128xf32>
      %get3A_47 = arith.constant 0 : index
      %get3A_48 = arith.constant 0 : index
      %get3A_49 = vector.load %arg4[%get3A_47, %get3A_48] : memref<128x128xf32, #tpu.memory_space<vmem>>, vector<128x128xf32>
      %dot_general3A = arith.constant dense<0.000000e+00> : vector<5000x128xf32>
      %dot_general3A_50 = tpu.matmul %slice3A_46, %get3A_49, %dot_general3A {dimension_numbers = #tpu.dot_dimension_numbers<[1], [0], [0], [1], [0, 0, 1, 1], [], []>, transpose_lhs_hint = false} : vector<5000x128xf32>, vector<128x128xf32>, vector<5000x128xf32> -> vector<5000x128xf32>
      %slice3A_51 = vector.extract_strided_slice %get3A_45 {offsets = [0, 128], sizes = [5000, 3], strides = [1, 1]} : vector<5000x131xf32> to vector<5000x3xf32>
      %get3A_52 = arith.constant 0 : index
      %get3A_53 = arith.constant 0 : index
      %get3A_54 = vector.load %arg5[%get3A_52, %get3A_53] : memref<3x128xf32, #tpu.memory_space<vmem>>, vector<3x128xf32>
      %dot_general3A_55 = arith.constant dense<0.000000e+00> : vector<5000x128xf32>
      %dot_general3A_56 = tpu.matmul %slice3A_51, %get3A_54, %dot_general3A_55 {dimension_numbers = #tpu.dot_dimension_numbers<[1], [0], [0], [1], [0, 0, 1, 1], [], []>, transpose_lhs_hint = false} : vector<5000x3xf32>, vector<3x128xf32>, vector<5000x128xf32> -> vector<5000x128xf32>
      %add3A_57 = arith.addf %dot_general3A_50, %dot_general3A_56 : vector<5000x128xf32>
      %swap3A_58 = arith.constant 0 : index
      %swap3A_59 = arith.constant 0 : index
      %swap3A_60 = vector.load %arg8[%swap3A_58, %swap3A_59] : memref<5000x128xf32, #tpu.memory_space<vmem>>, vector<5000x128xf32>
      tpu.vector_store %arg8[%swap3A_58, %swap3A_59], %add3A_57 {strides = array<i32>} : memref<5000x128xf32, #tpu.memory_space<vmem>>, vector<5000x128xf32>,
    } else {
    }
    %get3A = arith.constant 0 : index
    %get3A_2 = arith.constant 0 : index
    %get3A_3 = vector.load %arg1[%get3A, %get3A_2] : memref<400x3xf32, #tpu.memory_space<vmem>>, vector<400x3xf32>
    %get3A_4 = arith.constant 0 : index
    %get3A_5 = arith.constant 0 : index
    %get3A_6 = vector.load %arg2[%get3A_4, %get3A_5] : memref<3x5000xf32, #tpu.memory_space<vmem>>, vector<3x5000xf32>
    %slice3A = vector.extract_strided_slice %get3A_3 {offsets = [0, 0], sizes = [400, 1], strides = [1, 1]} : vector<400x3xf32> to vector<400x1xf32>
    %slice3A_7 = vector.extract_strided_slice %get3A_6 {offsets = [0, 0], sizes = [1, 5000], strides = [1, 1]} : vector<3x5000xf32> to vector<1x5000xf32>
    %sub3A = vector.broadcast %slice3A : vector<400x1xf32> to vector<400x5000xf32>
    %sub3A_8 = vector.broadcast %slice3A_7 : vector<1x5000xf32> to vector<400x5000xf32>
    %sub3A_9 = arith.subf %sub3A, %sub3A_8 : vector<400x5000xf32>
    %integer_pow3A = arith.mulf %sub3A_9, %sub3A_9 : vector<400x5000xf32>
    %slice3A_10 = vector.extract_strided_slice %get3A_3 {offsets = [0, 1], sizes = [400, 1], strides = [1, 1]} : vector<400x3xf32> to vector<400x1xf32>
    %slice3A_11 = vector.extract_strided_slice %get3A_6 {offsets = [1, 0], sizes = [1, 5000], strides = [1, 1]} : vector<3x5000xf32> to vector<1x5000xf32>
    %sub3A_12 = vector.broadcast %slice3A_10 : vector<400x1xf32> to vector<400x5000xf32>
    %sub3A_13 = vector.broadcast %slice3A_11 : vector<1x5000xf32> to vector<400x5000xf32>
    %sub3A_14 = arith.subf %sub3A_12, %sub3A_13 : vector<400x5000xf32>
    %integer_pow3A_15 = arith.mulf %sub3A_14, %sub3A_14 : vector<400x5000xf32>
    %add3A = arith.addf %integer_pow3A, %integer_pow3A_15 : vector<400x5000xf32>
    %slice3A_16 = vector.extract_strided_slice %get3A_3 {offsets = [0, 2], sizes = [400, 1], strides = [1, 1]} : vector<400x3xf32> to vector<400x1xf32>
    %slice3A_17 = vector.extract_strided_slice %get3A_6 {offsets = [2, 0], sizes = [1, 5000], strides = [1, 1]} : vector<3x5000xf32> to vector<1x5000xf32>
    %sub3A_18 = vector.broadcast %slice3A_16 : vector<400x1xf32> to vector<400x5000xf32>
    %sub3A_19 = vector.broadcast %slice3A_17 : vector<1x5000xf32> to vector<400x5000xf32>
    %sub3A_20 = arith.subf %sub3A_18, %sub3A_19 : vector<400x5000xf32>
    %integer_pow3A_21 = arith.mulf %sub3A_20, %sub3A_20 : vector<400x5000xf32>
    %add3A_22 = arith.addf %add3A, %integer_pow3A_21 : vector<400x5000xf32>
    %swap3A = arith.constant 0 : index
    %swap3A_23 = arith.constant 0 : index
    %swap3A_24 = vector.load %arg9[%swap3A, %swap3A_23] : memref<400x5000xf32, #tpu.memory_space<vmem>>, vector<400x5000xf32>
    tpu.vector_store %arg9[%swap3A, %swap3A_23], %add3A_22 {strides = array<i32>} : memref<400x5000xf32, #tpu.memory_space<vmem>>, vector<400x5000xf32>,
    %iota3A = tpu.iota {dimensions = array<i32: 1>} : vector<400x5000xi32>
    %iota3A_25 = tpu.iota {dimensions = array<i32: 1>} : vector<400x16xi32>
    %le3A = arith.constant 1.600000e+01 : f32
    %le3A_26 = vector.broadcast %le3A : f32 to vector<400x5000xf32>
    %le3A_27 = arith.cmpf ole, %add3A_22, %le3A_26 : vector<400x5000xf32>
    %convert_element_type3A_28 = arith.extui %le3A_27 : vector<400x5000xi1> to vector<400x5000xi32>
    %convert_element_type3A_29 = arith.sitofp %convert_element_type3A_28 : vector<400x5000xi32> to vector<400x5000xf32>
    %reduce_sum3A = arith.constant dense<0.000000e+00> : vector<400xf32>
    %reduce_sum3A_30 = vector.multi_reduction <add>, %convert_element_type3A_29, %reduce_sum3A [1] : vector<400x5000xf32> to vector<400xf32>
    %broadcast_in_dim3A = vector.shape_cast %reduce_sum3A_30 : vector<400xf32> to vector<400x1xf32>
    %convert_element_type3A_31 = arith.sitofp %iota3A_25 : vector<400x16xi32> to vector<400x16xf32>
    %lt3A = vector.broadcast %broadcast_in_dim3A : vector<400x1xf32> to vector<400x16xf32>
    %lt3A_32 = arith.cmpf olt, %convert_element_type3A_31, %lt3A : vector<400x16xf32>
    %convert_element_type3A_33 = arith.extui %lt3A_32 : vector<400x16xi1> to vector<400x16xi32>
    %convert_element_type3A_34 = arith.sitofp %convert_element_type3A_33 : vector<400x16xi32> to vector<400x16xf32>
    %swap3A_35 = arith.constant 0 : index
    %swap3A_36 = arith.constant 0 : index
    %swap3A_37 = vector.load %arg7[%swap3A_35, %swap3A_36] : memref<400x16xf32, #tpu.memory_space<vmem>>, vector<400x16xf32>
    tpu.vector_store %arg7[%swap3A_35, %swap3A_36], %convert_element_type3A_34 {strides = array<i32>} : memref<400x16xf32, #tpu.memory_space<vmem>>, vector<400x16xf32>,
    %scan3A = arith.constant 1073741824 : i32
    %scan3A_38 = arith.constant 0 : i32
    %scan3A_39 = arith.constant 8 : i32
    %scan3A_40 = arith.addi %scan3A_38, %scan3A_39 : i32
    %scan3A_41 = arith.constant 1 : i32
    scf.for %scan3A_43 = %scan3A_38 to %scan3A_40 step %scan3A_41  : i32 {
      %get3A_44 = arith.constant 0 : index
      %get3A_45 = arith.constant 0 : index
      %get3A_46 = vector.load %arg9[%get3A_44, %get3A_45] : memref<400x5000xf32, #tpu.memory_space<vmem>>, vector<400x5000xf32>
      %reduce_min3A = arith.constant dense<0x7F800000> : vector<400xf32>
      %reduce_min3A_47 = vector.multi_reduction <minimumf>, %get3A_46, %reduce_min3A [1] : vector<400x5000xf32> to vector<400xf32>
      %broadcast_in_dim3A_48 = vector.shape_cast %reduce_min3A_47 : vector<400xf32> to vector<400x1xf32>
      %eq3A_49 = vector.broadcast %broadcast_in_dim3A_48 : vector<400x1xf32> to vector<400x5000xf32>
      %eq3A_50 = arith.cmpf oeq, %get3A_46, %eq3A_49 : vector<400x5000xf32>
      %broadcast_in_dim3A_51 = vector.broadcast %scan3A : i32 to vector<400x5000xi32>
      %select_n3A = arith.select %eq3A_50, %iota3A, %broadcast_in_dim3A_51 : vector<400x5000xi1>, vector<400x5000xi32>
      %reduce_min3A_52 = arith.constant dense<2147483647> : vector<400xi32>
      %reduce_min3A_53 = vector.multi_reduction <minsi>, %select_n3A, %reduce_min3A_52 [1] : vector<400x5000xi32> to vector<400xi32>
      %broadcast_in_dim3A_54 = vector.shape_cast %reduce_min3A_53 : vector<400xi32> to vector<400x1xi32>
      %eq3A_55 = vector.broadcast %broadcast_in_dim3A_54 : vector<400x1xi32> to vector<400x5000xi32>
      %eq3A_56 = arith.cmpi eq, %iota3A, %eq3A_55 : vector<400x5000xi32>
      %jit3A = arith.constant 0x7F800000 : f32
      %broadcast_in_dim3A_57 = vector.broadcast %jit3A : f32 to vector<400x5000xf32>
      %select_n3A_58 = arith.select %eq3A_56, %broadcast_in_dim3A_57, %get3A_46 : vector<400x5000xi1>, vector<400x5000xf32>
      %reduce_min3A_59 = arith.constant dense<0x7F800000> : vector<400xf32>
      %reduce_min3A_60 = vector.multi_reduction <minimumf>, %select_n3A_58, %reduce_min3A_59 [1] : vector<400x5000xf32> to vector<400xf32>
      %broadcast_in_dim3A_61 = vector.shape_cast %reduce_min3A_60 : vector<400xf32> to vector<400x1xf32>
      %eq3A_62 = vector.broadcast %broadcast_in_dim3A_61 : vector<400x1xf32> to vector<400x5000xf32>
      %eq3A_63 = arith.cmpf oeq, %select_n3A_58, %eq3A_62 : vector<400x5000xf32>
      %broadcast_in_dim3A_64 = vector.broadcast %scan3A : i32 to vector<400x5000xi32>
      %select_n3A_65 = arith.select %eq3A_63, %iota3A, %broadcast_in_dim3A_64 : vector<400x5000xi1>, vector<400x5000xi32>
      %reduce_min3A_66 = arith.constant dense<2147483647> : vector<400xi32>
      %reduce_min3A_67 = vector.multi_reduction <minsi>, %select_n3A_65, %reduce_min3A_66 [1] : vector<400x5000xi32> to vector<400xi32>
      %broadcast_in_dim3A_68 = vector.shape_cast %reduce_min3A_67 : vector<400xi32> to vector<400x1xi32>
      %eq3A_69 = vector.broadcast %broadcast_in_dim3A_68 : vector<400x1xi32> to vector<400x5000xi32>
      %eq3A_70 = arith.cmpi eq, %iota3A, %eq3A_69 : vector<400x5000xi32>
      %jit3A_71 = arith.constant 0x7F800000 : f32
      %broadcast_in_dim3A_72 = vector.broadcast %jit3A_71 : f32 to vector<400x5000xf32>
      %select_n3A_73 = arith.select %eq3A_70, %broadcast_in_dim3A_72, %select_n3A_58 : vector<400x5000xi1>, vector<400x5000xf32>
      %mul3A = arith.constant 2 : i32
      %mul3A_74 = arith.muli %mul3A, %scan3A_43 : i32
      %eq3A_75 = vector.broadcast %mul3A_74 : i32 to vector<400x16xi32>
      %eq3A_76 = arith.cmpi eq, %iota3A_25, %eq3A_75 : vector<400x16xi32>
      %mul3A_77 = arith.constant 2 : i32
      %mul3A_78 = arith.muli %mul3A_77, %scan3A_43 : i32
      %add3A_79 = arith.constant 1 : i32
      %add3A_80 = arith.addi %mul3A_78, %add3A_79 : i32
      %eq3A_81 = vector.broadcast %add3A_80 : i32 to vector<400x16xi32>
      %eq3A_82 = arith.cmpi eq, %iota3A_25, %eq3A_81 : vector<400x16xi32>
      %get3A_83 = arith.constant 0 : index
      %get3A_84 = arith.constant 0 : index
      %get3A_85 = vector.load %arg6[%get3A_83, %get3A_84] : memref<400x16xi32, #tpu.memory_space<vmem>>, vector<400x16xi32>
      %broadcast_in_dim3A_86 = vector.shape_cast %broadcast_in_dim3A_68 : vector<400x1xi32> to vector<400x1xi32>
      %broadcast_in_dim3A_87 = vector.broadcast %broadcast_in_dim3A_86 : vector<400x1xi32> to vector<400x16xi32>
      %select_n3A_88 = arith.select %eq3A_82, %broadcast_in_dim3A_87, %get3A_85 : vector<400x16xi1>, vector<400x16xi32>
      %broadcast_in_dim3A_89 = vector.shape_cast %broadcast_in_dim3A_54 : vector<400x1xi32> to vector<400x1xi32>
      %broadcast_in_dim3A_90 = vector.broadcast %broadcast_in_dim3A_89 : vector<400x1xi32> to vector<400x16xi32>
      %select_n3A_91 = arith.select %eq3A_76, %broadcast_in_dim3A_90, %select_n3A_88 : vector<400x16xi1>, vector<400x16xi32>
      %swap3A_92 = arith.constant 0 : index
      %swap3A_93 = arith.constant 0 : index
      %swap3A_94 = vector.load %arg6[%swap3A_92, %swap3A_93] : memref<400x16xi32, #tpu.memory_space<vmem>>, vector<400x16xi32>
      tpu.vector_store %arg6[%swap3A_92, %swap3A_93], %select_n3A_91 {strides = array<i32>} : memref<400x16xi32, #tpu.memory_space<vmem>>, vector<400x16xi32>,
      %swap3A_95 = arith.constant 0 : index
      %swap3A_96 = arith.constant 0 : index
      %swap3A_97 = vector.load %arg9[%swap3A_95, %swap3A_96] : memref<400x5000xf32, #tpu.memory_space<vmem>>, vector<400x5000xf32>
      tpu.vector_store %arg9[%swap3A_95, %swap3A_96], %select_n3A_73 {strides = array<i32>} : memref<400x5000xf32, #tpu.memory_space<vmem>>, vector<400x5000xf32>,
    }
    %scan3A_42 = arith.constant 8 : i32
    return
  }
  func.func @transform_0(%arg0: i32) -> (i32, i32) {
    %c0_i32 = arith.constant 0 : i32
    %c0_i32_0 = arith.constant 0 : i32
    return %arg0, %c0_i32 : i32, i32
  }
  func.func @transform_1(%arg0: i32) -> (i32, i32) {
    %c0_i32 = arith.constant 0 : i32
    %c0_i32_0 = arith.constant 0 : i32
    %c0_i32_1 = arith.constant 0 : i32
    return %c0_i32, %c0_i32_0 : i32, i32
  }
  func.func @transform_2(%arg0: i32) -> (i32, i32) {
    %c0_i32 = arith.constant 0 : i32
    %c0_i32_0 = arith.constant 0 : i32
    %c0_i32_1 = arith.constant 0 : i32
    return %c0_i32, %c0_i32_0 : i32, i32
  }
  func.func @transform_3(%arg0: i32) -> (i32, i32) {
    %c0_i32 = arith.constant 0 : i32
    %c0_i32_0 = arith.constant 0 : i32
    %c0_i32_1 = arith.constant 0 : i32
    return %c0_i32, %c0_i32_0 : i32, i32
  }
  func.func @transform_4(%arg0: i32) -> (i32, i32) {
    %c0_i32 = arith.constant 0 : i32
    %c0_i32_0 = arith.constant 0 : i32
    %c0_i32_1 = arith.constant 0 : i32
    return %c0_i32, %c0_i32_0 : i32, i32
  }
  func.func @transform_5(%arg0: i32) -> (i32, i32) {
    %c0_i32 = arith.constant 0 : i32
    %c0_i32_0 = arith.constant 0 : i32
    return %arg0, %c0_i32 : i32, i32
  }
  func.func @transform_6(%arg0: i32) -> (i32, i32) {
    %c0_i32 = arith.constant 0 : i32
    %c0_i32_0 = arith.constant 0 : i32
    return %arg0, %c0_i32 : i32, i32
  }
  func.func @transform_7(%arg0: i32) -> (i32, i32) {
    %c0_i32 = arith.constant 0 : i32
    %c0_i32_0 = arith.constant 0 : i32
    %c0_i32_1 = arith.constant 0 : i32
    return %c0_i32, %c0_i32_0 : i32, i32
  }
}

module attributes {stable_mosaic.version = 14 : i64} {
  func.func @_mlp_body(%arg0: i32, %arg1: memref<400x3xf32, #tpu.memory_space<vmem>>, %arg2: memref<16x400x128xf32, #tpu.memory_space<vmem>>, %arg3: memref<400x16xf32, #tpu.memory_space<vmem>>, %arg4: memref<5000x131xf32, #tpu.memory_space<vmem>>, %arg5: memref<3x128xf32, #tpu.memory_space<vmem>>, %arg6: memref<1x128xf32, #tpu.memory_space<vmem>>, %arg7: memref<128x128xf32, #tpu.memory_space<vmem>>, %arg8: memref<1x128xf32, #tpu.memory_space<vmem>>, %arg9: memref<128x256xf32, #tpu.memory_space<vmem>>, %arg10: memref<1x256xf32, #tpu.memory_space<vmem>>, %arg11: memref<400x256xf32, #tpu.memory_space<vmem>>, %arg12: memref<5000x131xf32, #tpu.memory_space<vmem>>, %arg13: memref<400x1xf32, #tpu.memory_space<vmem>>) attributes {dimension_semantics = [#tpu.dimension_semantics<arbitrary>], iteration_bounds = array<i64: 50>, scalar_prefetch = 0 : i64, scratch_operands = 1 : i64, tpu.core_type = #tpu.core_type<tc>, window_params = [{transform_indices = @transform_0, window_bounds = array<i64: 400, 3>}, {transform_indices = @transform_1, window_bounds = array<i64: 16, 400, 128>}, {transform_indices = @transform_2, window_bounds = array<i64: 400, 16>}, {pipeline_mode = #tpu.pipeline_mode<synchronous>, transform_indices = @transform_3, window_bounds = array<i64: 5000, 131>}, {pipeline_mode = #tpu.pipeline_mode<synchronous>, transform_indices = @transform_4, window_bounds = array<i64: 3, 128>}, {pipeline_mode = #tpu.pipeline_mode<synchronous>, transform_indices = @transform_5, window_bounds = array<i64: 1, 128>}, {pipeline_mode = #tpu.pipeline_mode<synchronous>, transform_indices = @transform_6, window_bounds = array<i64: 128, 128>}, {pipeline_mode = #tpu.pipeline_mode<synchronous>, transform_indices = @transform_7, window_bounds = array<i64: 1, 128>}, {pipeline_mode = #tpu.pipeline_mode<synchronous>, transform_indices = @transform_8, window_bounds = array<i64: 128, 256>}, {pipeline_mode = #tpu.pipeline_mode<synchronous>, transform_indices = @transform_9, window_bounds = array<i64: 1, 256>}, {transform_indices = @transform_10, window_bounds = array<i64: 400, 256>}, {pipeline_mode = #tpu.pipeline_mode<synchronous>, transform_indices = @transform_11, window_bounds = array<i64: 5000, 131>}]} {
    %get3A = arith.constant 0 : index
    %get3A_0 = arith.constant 0 : index
    %get3A_1 = vector.load %arg1[%get3A, %get3A_0] : memref<400x3xf32, #tpu.memory_space<vmem>>, vector<400x3xf32>
    %get3A_2 = arith.constant 0 : index
    %get3A_3 = arith.constant 0 : index
    %get3A_4 = vector.load %arg5[%get3A_2, %get3A_3] : memref<3x128xf32, #tpu.memory_space<vmem>>, vector<3x128xf32>
    %dot_general3A = arith.constant dense<0.000000e+00> : vector<400x128xf32>
    %dot_general3A_5 = tpu.matmul %get3A_1, %get3A_4, %dot_general3A {dimension_numbers = #tpu.dot_dimension_numbers<[1], [0], [0], [1], [0, 0, 1, 1], [], []>, transpose_lhs_hint = false} : vector<400x3xf32>, vector<3x128xf32>, vector<400x128xf32> -> vector<400x128xf32>
    %broadcast_in_dim3A = arith.constant 0xFF800000 : f32
    %broadcast_in_dim3A_6 = vector.broadcast %broadcast_in_dim3A : f32 to vector<400x256xf32>
    %swap3A = arith.constant 0 : index
    %swap3A_7 = arith.constant 0 : index
    %swap3A_8 = vector.load %arg11[%swap3A, %swap3A_7] : memref<400x256xf32, #tpu.memory_space<vmem>>, vector<400x256xf32>
    tpu.vector_store %arg11[%swap3A, %swap3A_7], %broadcast_in_dim3A_6 {strides = array<i32>} : memref<400x256xf32, #tpu.memory_space<vmem>>, vector<400x256xf32>,
    %broadcast_in_dim3A_9 = arith.constant 0.000000e+00 : f32
    %broadcast_in_dim3A_10 = vector.broadcast %broadcast_in_dim3A_9 : f32 to vector<400x1xf32>
    %swap3A_11 = arith.constant 0 : index
    %swap3A_12 = arith.constant 0 : index
    %swap3A_13 = vector.load %arg13[%swap3A_11, %swap3A_12] : memref<400x1xf32, #tpu.memory_space<vmem>>, vector<400x1xf32>
    tpu.vector_store %arg13[%swap3A_11, %swap3A_12], %broadcast_in_dim3A_10 {strides = array<i32>} : memref<400x1xf32, #tpu.memory_space<vmem>>, vector<400x1xf32>,
    %get3A_14 = arith.constant 0 : index
    %get3A_15 = arith.constant 0 : index
    %get3A_16 = arith.constant 0 : index
    %get3A_17 = vector.load %arg2[%get3A_14, %get3A_15, %get3A_16] : memref<16x400x128xf32, #tpu.memory_space<vmem>>, vector<1x400x128xf32>
    %get3A_18 = vector.shape_cast %get3A_17 : vector<1x400x128xf32> to vector<400x128xf32>
    %sub3A = arith.subf %get3A_18, %dot_general3A_5 : vector<400x128xf32>
    %get3A_19 = arith.constant 0 : index
    %get3A_20 = arith.constant 0 : index
    %get3A_21 = vector.load %arg6[%get3A_19, %get3A_20] : memref<1x128xf32, #tpu.memory_space<vmem>>, vector<1x128xf32>
    %add3A = vector.broadcast %get3A_21 : vector<1x128xf32> to vector<400x128xf32>
    %add3A_22 = arith.addf %sub3A, %add3A : vector<400x128xf32>
    %max3A = arith.constant 0.000000e+00 : f32
    %max3A_23 = vector.broadcast %max3A : f32 to vector<400x128xf32>
    %max3A_24 = arith.maximumf %add3A_22, %max3A_23 : vector<400x128xf32>
    %get3A_25 = arith.constant 0 : index
    %get3A_26 = arith.constant 0 : index
    %get3A_27 = vector.load %arg7[%get3A_25, %get3A_26] : memref<128x128xf32, #tpu.memory_space<vmem>>, vector<128x128xf32>
    %dot_general3A_28 = arith.constant dense<0.000000e+00> : vector<400x128xf32>
    %dot_general3A_29 = tpu.matmul %max3A_24, %get3A_27, %dot_general3A_28 {dimension_numbers = #tpu.dot_dimension_numbers<[1], [0], [0], [1], [0, 0, 1, 1], [], []>, transpose_lhs_hint = false} : vector<400x128xf32>, vector<128x128xf32>, vector<400x128xf32> -> vector<400x128xf32>
    %get3A_30 = arith.constant 0 : index
    %get3A_31 = arith.constant 0 : index
    %get3A_32 = vector.load %arg8[%get3A_30, %get3A_31] : memref<1x128xf32, #tpu.memory_space<vmem>>, vector<1x128xf32>
    %add3A_33 = vector.broadcast %get3A_32 : vector<1x128xf32> to vector<400x128xf32>
    %add3A_34 = arith.addf %dot_general3A_29, %add3A_33 : vector<400x128xf32>
    %max3A_35 = arith.constant 0.000000e+00 : f32
    %max3A_36 = vector.broadcast %max3A_35 : f32 to vector<400x128xf32>
    %max3A_37 = arith.maximumf %add3A_34, %max3A_36 : vector<400x128xf32>
    %get3A_38 = arith.constant 0 : index
    %get3A_39 = arith.constant 0 : index
    %get3A_40 = vector.load %arg9[%get3A_38, %get3A_39] : memref<128x256xf32, #tpu.memory_space<vmem>>, vector<128x256xf32>
    %dot_general3A_41 = arith.constant dense<0.000000e+00> : vector<400x256xf32>
    %dot_general3A_42 = tpu.matmul %max3A_37, %get3A_40, %dot_general3A_41 {dimension_numbers = #tpu.dot_dimension_numbers<[1], [0], [0], [1], [0, 0, 1, 1], [], []>, transpose_lhs_hint = false} : vector<400x128xf32>, vector<128x256xf32>, vector<400x256xf32> -> vector<400x256xf32>
    %get3A_43 = arith.constant 0 : index
    %get3A_44 = arith.constant 0 : index
    %get3A_45 = vector.load %arg10[%get3A_43, %get3A_44] : memref<1x256xf32, #tpu.memory_space<vmem>>, vector<1x256xf32>
    %add3A_46 = vector.broadcast %get3A_45 : vector<1x256xf32> to vector<400x256xf32>
    %add3A_47 = arith.addf %dot_general3A_42, %add3A_46 : vector<400x256xf32>
    %max3A_48 = arith.constant 0.000000e+00 : f32
    %max3A_49 = vector.broadcast %max3A_48 : f32 to vector<400x256xf32>
    %max3A_50 = arith.maximumf %add3A_47, %max3A_49 : vector<400x256xf32>
    %get3A_51 = arith.constant 0 : index
    %get3A_52 = arith.constant 0 : index
    %get3A_53 = vector.load %arg3[%get3A_51, %get3A_52] : memref<400x16xf32, #tpu.memory_space<vmem>>, vector<400x1xf32>
    %gt3A = arith.constant 0.000000e+00 : f32
    %gt3A_54 = vector.broadcast %gt3A : f32 to vector<400x1xf32>
    %gt3A_55 = arith.cmpf ogt, %get3A_53, %gt3A_54 : vector<400x1xf32>
    %get3A_56 = arith.constant 0 : index
    %get3A_57 = arith.constant 0 : index
    %get3A_58 = vector.load %arg11[%get3A_56, %get3A_57] : memref<400x256xf32, #tpu.memory_space<vmem>>, vector<400x256xf32>
    %jit3A = arith.constant 0xFF800000 : f32
    %broadcast_in_dim3A_59 = vector.shape_cast %gt3A_55 : vector<400x1xi1> to vector<400x1xi1>
    %broadcast_in_dim3A_60 = vector.broadcast %broadcast_in_dim3A_59 : vector<400x1xi1> to vector<400x256xi1>
    %broadcast_in_dim3A_61 = vector.broadcast %jit3A : f32 to vector<400x256xf32>
    %select_n3A = arith.select %broadcast_in_dim3A_60, %max3A_50, %broadcast_in_dim3A_61 : vector<400x256xi1>, vector<400x256xf32>
    %max3A_62 = arith.maximumf %get3A_58, %select_n3A : vector<400x256xf32>
    %swap3A_63 = arith.constant 0 : index
    %swap3A_64 = arith.constant 0 : index
    %swap3A_65 = vector.load %arg11[%swap3A_63, %swap3A_64] : memref<400x256xf32, #tpu.memory_space<vmem>>, vector<400x256xf32>
    tpu.vector_store %arg11[%swap3A_63, %swap3A_64], %max3A_62 {strides = array<i32>} : memref<400x256xf32, #tpu.memory_space<vmem>>, vector<400x256xf32>,
    %get3A_66 = arith.constant 0 : index
    %get3A_67 = arith.constant 0 : index
    %get3A_68 = vector.load %arg13[%get3A_66, %get3A_67] : memref<400x1xf32, #tpu.memory_space<vmem>>, vector<400x1xf32>
    %convert_element_type3A = arith.extui %gt3A_55 : vector<400x1xi1> to vector<400x1xi32>
    %convert_element_type3A_69 = arith.sitofp %convert_element_type3A : vector<400x1xi32> to vector<400x1xf32>
    %max3A_70 = arith.maximumf %get3A_68, %convert_element_type3A_69 : vector<400x1xf32>
    %swap3A_71 = arith.constant 0 : index
    %swap3A_72 = arith.constant 0 : index
    %swap3A_73 = vector.load %arg13[%swap3A_71, %swap3A_72] : memref<400x1xf32, #tpu.memory_space<vmem>>, vector<400x1xf32>
    tpu.vector_store %arg13[%swap3A_71, %swap3A_72], %max3A_70 {strides = array<i32>} : memref<400x1xf32, #tpu.memory_space<vmem>>, vector<400x1xf32>,
    %get3A_74 = arith.constant 1 : index
    %get3A_75 = arith.constant 0 : index
    %get3A_76 = arith.constant 0 : index
    %get3A_77 = vector.load %arg2[%get3A_74, %get3A_75, %get3A_76] : memref<16x400x128xf32, #tpu.memory_space<vmem>>, vector<1x400x128xf32>
    %get3A_78 = vector.shape_cast %get3A_77 : vector<1x400x128xf32> to vector<400x128xf32>
    %sub3A_79 = arith.subf %get3A_78, %dot_general3A_5 : vector<400x128xf32>
    %get3A_80 = arith.constant 0 : index
    %get3A_81 = arith.constant 0 : index
    %get3A_82 = vector.load %arg6[%get3A_80, %get3A_81] : memref<1x128xf32, #tpu.memory_space<vmem>>, vector<1x128xf32>
    %add3A_83 = vector.broadcast %get3A_82 : vector<1x128xf32> to vector<400x128xf32>
    %add3A_84 = arith.addf %sub3A_79, %add3A_83 : vector<400x128xf32>
    %max3A_85 = arith.constant 0.000000e+00 : f32
    %max3A_86 = vector.broadcast %max3A_85 : f32 to vector<400x128xf32>
    %max3A_87 = arith.maximumf %add3A_84, %max3A_86 : vector<400x128xf32>
    %get3A_88 = arith.constant 0 : index
    %get3A_89 = arith.constant 0 : index
    %get3A_90 = vector.load %arg7[%get3A_88, %get3A_89] : memref<128x128xf32, #tpu.memory_space<vmem>>, vector<128x128xf32>
    %dot_general3A_91 = arith.constant dense<0.000000e+00> : vector<400x128xf32>
    %dot_general3A_92 = tpu.matmul %max3A_87, %get3A_90, %dot_general3A_91 {dimension_numbers = #tpu.dot_dimension_numbers<[1], [0], [0], [1], [0, 0, 1, 1], [], []>, transpose_lhs_hint = false} : vector<400x128xf32>, vector<128x128xf32>, vector<400x128xf32> -> vector<400x128xf32>
    %get3A_93 = arith.constant 0 : index
    %get3A_94 = arith.constant 0 : index
    %get3A_95 = vector.load %arg8[%get3A_93, %get3A_94] : memref<1x128xf32, #tpu.memory_space<vmem>>, vector<1x128xf32>
    %add3A_96 = vector.broadcast %get3A_95 : vector<1x128xf32> to vector<400x128xf32>
    %add3A_97 = arith.addf %dot_general3A_92, %add3A_96 : vector<400x128xf32>
    %max3A_98 = arith.constant 0.000000e+00 : f32
    %max3A_99 = vector.broadcast %max3A_98 : f32 to vector<400x128xf32>
    %max3A_100 = arith.maximumf %add3A_97, %max3A_99 : vector<400x128xf32>
    %get3A_101 = arith.constant 0 : index
    %get3A_102 = arith.constant 0 : index
    %get3A_103 = vector.load %arg9[%get3A_101, %get3A_102] : memref<128x256xf32, #tpu.memory_space<vmem>>, vector<128x256xf32>
    %dot_general3A_104 = arith.constant dense<0.000000e+00> : vector<400x256xf32>
    %dot_general3A_105 = tpu.matmul %max3A_100, %get3A_103, %dot_general3A_104 {dimension_numbers = #tpu.dot_dimension_numbers<[1], [0], [0], [1], [0, 0, 1, 1], [], []>, transpose_lhs_hint = false} : vector<400x128xf32>, vector<128x256xf32>, vector<400x256xf32> -> vector<400x256xf32>
    %get3A_106 = arith.constant 0 : index
    %get3A_107 = arith.constant 0 : index
    %get3A_108 = vector.load %arg10[%get3A_106, %get3A_107] : memref<1x256xf32, #tpu.memory_space<vmem>>, vector<1x256xf32>
    %add3A_109 = vector.broadcast %get3A_108 : vector<1x256xf32> to vector<400x256xf32>
    %add3A_110 = arith.addf %dot_general3A_105, %add3A_109 : vector<400x256xf32>
    %max3A_111 = arith.constant 0.000000e+00 : f32
    %max3A_112 = vector.broadcast %max3A_111 : f32 to vector<400x256xf32>
    %max3A_113 = arith.maximumf %add3A_110, %max3A_112 : vector<400x256xf32>
    %get3A_114 = arith.constant 0 : index
    %get3A_115 = arith.constant 1 : index
    %get3A_116 = vector.load %arg3[%get3A_114, %get3A_115] : memref<400x16xf32, #tpu.memory_space<vmem>>, vector<400x1xf32>
    %gt3A_117 = arith.constant 0.000000e+00 : f32
    %gt3A_118 = vector.broadcast %gt3A_117 : f32 to vector<400x1xf32>
    %gt3A_119 = arith.cmpf ogt, %get3A_116, %gt3A_118 : vector<400x1xf32>
    %get3A_120 = arith.constant 0 : index
    %get3A_121 = arith.constant 0 : index
    %get3A_122 = vector.load %arg11[%get3A_120, %get3A_121] : memref<400x256xf32, #tpu.memory_space<vmem>>, vector<400x256xf32>
    %jit3A_123 = arith.constant 0xFF800000 : f32
    %broadcast_in_dim3A_124 = vector.shape_cast %gt3A_119 : vector<400x1xi1> to vector<400x1xi1>
    %broadcast_in_dim3A_125 = vector.broadcast %broadcast_in_dim3A_124 : vector<400x1xi1> to vector<400x256xi1>
    %broadcast_in_dim3A_126 = vector.broadcast %jit3A_123 : f32 to vector<400x256xf32>
    %select_n3A_127 = arith.select %broadcast_in_dim3A_125, %max3A_113, %broadcast_in_dim3A_126 : vector<400x256xi1>, vector<400x256xf32>
    %max3A_128 = arith.maximumf %get3A_122, %select_n3A_127 : vector<400x256xf32>
    %swap3A_129 = arith.constant 0 : index
    %swap3A_130 = arith.constant 0 : index
    %swap3A_131 = vector.load %arg11[%swap3A_129, %swap3A_130] : memref<400x256xf32, #tpu.memory_space<vmem>>, vector<400x256xf32>
    tpu.vector_store %arg11[%swap3A_129, %swap3A_130], %max3A_128 {strides = array<i32>} : memref<400x256xf32, #tpu.memory_space<vmem>>, vector<400x256xf32>,
    %get3A_132 = arith.constant 0 : index
    %get3A_133 = arith.constant 0 : index
    %get3A_134 = vector.load %arg13[%get3A_132, %get3A_133] : memref<400x1xf32, #tpu.memory_space<vmem>>, vector<400x1xf32>
    %convert_element_type3A_135 = arith.extui %gt3A_119 : vector<400x1xi1> to vector<400x1xi32>
    %convert_element_type3A_136 = arith.sitofp %convert_element_type3A_135 : vector<400x1xi32> to vector<400x1xf32>
    %max3A_137 = arith.maximumf %get3A_134, %convert_element_type3A_136 : vector<400x1xf32>
    %swap3A_138 = arith.constant 0 : index
    %swap3A_139 = arith.constant 0 : index
    %swap3A_140 = vector.load %arg13[%swap3A_138, %swap3A_139] : memref<400x1xf32, #tpu.memory_space<vmem>>, vector<400x1xf32>
    tpu.vector_store %arg13[%swap3A_138, %swap3A_139], %max3A_137 {strides = array<i32>} : memref<400x1xf32, #tpu.memory_space<vmem>>, vector<400x1xf32>,
    %get3A_141 = arith.constant 2 : index
    %get3A_142 = arith.constant 0 : index
    %get3A_143 = arith.constant 0 : index
    %get3A_144 = vector.load %arg2[%get3A_141, %get3A_142, %get3A_143] : memref<16x400x128xf32, #tpu.memory_space<vmem>>, vector<1x400x128xf32>
    %get3A_145 = vector.shape_cast %get3A_144 : vector<1x400x128xf32> to vector<400x128xf32>
    %sub3A_146 = arith.subf %get3A_145, %dot_general3A_5 : vector<400x128xf32>
    %get3A_147 = arith.constant 0 : index
    %get3A_148 = arith.constant 0 : index
    %get3A_149 = vector.load %arg6[%get3A_147, %get3A_148] : memref<1x128xf32, #tpu.memory_space<vmem>>, vector<1x128xf32>
    %add3A_150 = vector.broadcast %get3A_149 : vector<1x128xf32> to vector<400x128xf32>
    %add3A_151 = arith.addf %sub3A_146, %add3A_150 : vector<400x128xf32>
    %max3A_152 = arith.constant 0.000000e+00 : f32
    %max3A_153 = vector.broadcast %max3A_152 : f32 to vector<400x128xf32>
    %max3A_154 = arith.maximumf %add3A_151, %max3A_153 : vector<400x128xf32>
    %get3A_155 = arith.constant 0 : index
    %get3A_156 = arith.constant 0 : index
    %get3A_157 = vector.load %arg7[%get3A_155, %get3A_156] : memref<128x128xf32, #tpu.memory_space<vmem>>, vector<128x128xf32>
    %dot_general3A_158 = arith.constant dense<0.000000e+00> : vector<400x128xf32>
    %dot_general3A_159 = tpu.matmul %max3A_154, %get3A_157, %dot_general3A_158 {dimension_numbers = #tpu.dot_dimension_numbers<[1], [0], [0], [1], [0, 0, 1, 1], [], []>, transpose_lhs_hint = false} : vector<400x128xf32>, vector<128x128xf32>, vector<400x128xf32> -> vector<400x128xf32>
    %get3A_160 = arith.constant 0 : index
    %get3A_161 = arith.constant 0 : index
    %get3A_162 = vector.load %arg8[%get3A_160, %get3A_161] : memref<1x128xf32, #tpu.memory_space<vmem>>, vector<1x128xf32>
    %add3A_163 = vector.broadcast %get3A_162 : vector<1x128xf32> to vector<400x128xf32>
    %add3A_164 = arith.addf %dot_general3A_159, %add3A_163 : vector<400x128xf32>
    %max3A_165 = arith.constant 0.000000e+00 : f32
    %max3A_166 = vector.broadcast %max3A_165 : f32 to vector<400x128xf32>
    %max3A_167 = arith.maximumf %add3A_164, %max3A_166 : vector<400x128xf32>
    %get3A_168 = arith.constant 0 : index
    %get3A_169 = arith.constant 0 : index
    %get3A_170 = vector.load %arg9[%get3A_168, %get3A_169] : memref<128x256xf32, #tpu.memory_space<vmem>>, vector<128x256xf32>
    %dot_general3A_171 = arith.constant dense<0.000000e+00> : vector<400x256xf32>
    %dot_general3A_172 = tpu.matmul %max3A_167, %get3A_170, %dot_general3A_171 {dimension_numbers = #tpu.dot_dimension_numbers<[1], [0], [0], [1], [0, 0, 1, 1], [], []>, transpose_lhs_hint = false} : vector<400x128xf32>, vector<128x256xf32>, vector<400x256xf32> -> vector<400x256xf32>
    %get3A_173 = arith.constant 0 : index
    %get3A_174 = arith.constant 0 : index
    %get3A_175 = vector.load %arg10[%get3A_173, %get3A_174] : memref<1x256xf32, #tpu.memory_space<vmem>>, vector<1x256xf32>
    %add3A_176 = vector.broadcast %get3A_175 : vector<1x256xf32> to vector<400x256xf32>
    %add3A_177 = arith.addf %dot_general3A_172, %add3A_176 : vector<400x256xf32>
    %max3A_178 = arith.constant 0.000000e+00 : f32
    %max3A_179 = vector.broadcast %max3A_178 : f32 to vector<400x256xf32>
    %max3A_180 = arith.maximumf %add3A_177, %max3A_179 : vector<400x256xf32>
    %get3A_181 = arith.constant 0 : index
    %get3A_182 = arith.constant 2 : index
    %get3A_183 = vector.load %arg3[%get3A_181, %get3A_182] : memref<400x16xf32, #tpu.memory_space<vmem>>, vector<400x1xf32>
    %gt3A_184 = arith.constant 0.000000e+00 : f32
    %gt3A_185 = vector.broadcast %gt3A_184 : f32 to vector<400x1xf32>
    %gt3A_186 = arith.cmpf ogt, %get3A_183, %gt3A_185 : vector<400x1xf32>
    %get3A_187 = arith.constant 0 : index
    %get3A_188 = arith.constant 0 : index
    %get3A_189 = vector.load %arg11[%get3A_187, %get3A_188] : memref<400x256xf32, #tpu.memory_space<vmem>>, vector<400x256xf32>
    %jit3A_190 = arith.constant 0xFF800000 : f32
    %broadcast_in_dim3A_191 = vector.shape_cast %gt3A_186 : vector<400x1xi1> to vector<400x1xi1>
    %broadcast_in_dim3A_192 = vector.broadcast %broadcast_in_dim3A_191 : vector<400x1xi1> to vector<400x256xi1>
    %broadcast_in_dim3A_193 = vector.broadcast %jit3A_190 : f32 to vector<400x256xf32>
    %select_n3A_194 = arith.select %broadcast_in_dim3A_192, %max3A_180, %broadcast_in_dim3A_193 : vector<400x256xi1>, vector<400x256xf32>
    %max3A_195 = arith.maximumf %get3A_189, %select_n3A_194 : vector<400x256xf32>
    %swap3A_196 = arith.constant 0 : index
    %swap3A_197 = arith.constant 0 : index
    %swap3A_198 = vector.load %arg11[%swap3A_196, %swap3A_197] : memref<400x256xf32, #tpu.memory_space<vmem>>, vector<400x256xf32>
    tpu.vector_store %arg11[%swap3A_196, %swap3A_197], %max3A_195 {strides = array<i32>} : memref<400x256xf32, #tpu.memory_space<vmem>>, vector<400x256xf32>,
    %get3A_199 = arith.constant 0 : index
    %get3A_200 = arith.constant 0 : index
    %get3A_201 = vector.load %arg13[%get3A_199, %get3A_200] : memref<400x1xf32, #tpu.memory_space<vmem>>, vector<400x1xf32>
    %convert_element_type3A_202 = arith.extui %gt3A_186 : vector<400x1xi1> to vector<400x1xi32>
    %convert_element_type3A_203 = arith.sitofp %convert_element_type3A_202 : vector<400x1xi32> to vector<400x1xf32>
    %max3A_204 = arith.maximumf %get3A_201, %convert_element_type3A_203 : vector<400x1xf32>
    %swap3A_205 = arith.constant 0 : index
    %swap3A_206 = arith.constant 0 : index
    %swap3A_207 = vector.load %arg13[%swap3A_205, %swap3A_206] : memref<400x1xf32, #tpu.memory_space<vmem>>, vector<400x1xf32>
    tpu.vector_store %arg13[%swap3A_205, %swap3A_206], %max3A_204 {strides = array<i32>} : memref<400x1xf32, #tpu.memory_space<vmem>>, vector<400x1xf32>,
    %get3A_208 = arith.constant 3 : index
    %get3A_209 = arith.constant 0 : index
    %get3A_210 = arith.constant 0 : index
    %get3A_211 = vector.load %arg2[%get3A_208, %get3A_209, %get3A_210] : memref<16x400x128xf32, #tpu.memory_space<vmem>>, vector<1x400x128xf32>
    %get3A_212 = vector.shape_cast %get3A_211 : vector<1x400x128xf32> to vector<400x128xf32>
    %sub3A_213 = arith.subf %get3A_212, %dot_general3A_5 : vector<400x128xf32>
    %get3A_214 = arith.constant 0 : index
    %get3A_215 = arith.constant 0 : index
    %get3A_216 = vector.load %arg6[%get3A_214, %get3A_215] : memref<1x128xf32, #tpu.memory_space<vmem>>, vector<1x128xf32>
    %add3A_217 = vector.broadcast %get3A_216 : vector<1x128xf32> to vector<400x128xf32>
    %add3A_218 = arith.addf %sub3A_213, %add3A_217 : vector<400x128xf32>
    %max3A_219 = arith.constant 0.000000e+00 : f32
    %max3A_220 = vector.broadcast %max3A_219 : f32 to vector<400x128xf32>
    %max3A_221 = arith.maximumf %add3A_218, %max3A_220 : vector<400x128xf32>
    %get3A_222 = arith.constant 0 : index
    %get3A_223 = arith.constant 0 : index
    %get3A_224 = vector.load %arg7[%get3A_222, %get3A_223] : memref<128x128xf32, #tpu.memory_space<vmem>>, vector<128x128xf32>
    %dot_general3A_225 = arith.constant dense<0.000000e+00> : vector<400x128xf32>
    %dot_general3A_226 = tpu.matmul %max3A_221, %get3A_224, %dot_general3A_225 {dimension_numbers = #tpu.dot_dimension_numbers<[1], [0], [0], [1], [0, 0, 1, 1], [], []>, transpose_lhs_hint = false} : vector<400x128xf32>, vector<128x128xf32>, vector<400x128xf32> -> vector<400x128xf32>
    %get3A_227 = arith.constant 0 : index
    %get3A_228 = arith.constant 0 : index
    %get3A_229 = vector.load %arg8[%get3A_227, %get3A_228] : memref<1x128xf32, #tpu.memory_space<vmem>>, vector<1x128xf32>
    %add3A_230 = vector.broadcast %get3A_229 : vector<1x128xf32> to vector<400x128xf32>
    %add3A_231 = arith.addf %dot_general3A_226, %add3A_230 : vector<400x128xf32>
    %max3A_232 = arith.constant 0.000000e+00 : f32
    %max3A_233 = vector.broadcast %max3A_232 : f32 to vector<400x128xf32>
    %max3A_234 = arith.maximumf %add3A_231, %max3A_233 : vector<400x128xf32>
    %get3A_235 = arith.constant 0 : index
    %get3A_236 = arith.constant 0 : index
    %get3A_237 = vector.load %arg9[%get3A_235, %get3A_236] : memref<128x256xf32, #tpu.memory_space<vmem>>, vector<128x256xf32>
    %dot_general3A_238 = arith.constant dense<0.000000e+00> : vector<400x256xf32>
    %dot_general3A_239 = tpu.matmul %max3A_234, %get3A_237, %dot_general3A_238 {dimension_numbers = #tpu.dot_dimension_numbers<[1], [0], [0], [1], [0, 0, 1, 1], [], []>, transpose_lhs_hint = false} : vector<400x128xf32>, vector<128x256xf32>, vector<400x256xf32> -> vector<400x256xf32>
    %get3A_240 = arith.constant 0 : index
    %get3A_241 = arith.constant 0 : index
    %get3A_242 = vector.load %arg10[%get3A_240, %get3A_241] : memref<1x256xf32, #tpu.memory_space<vmem>>, vector<1x256xf32>
    %add3A_243 = vector.broadcast %get3A_242 : vector<1x256xf32> to vector<400x256xf32>
    %add3A_244 = arith.addf %dot_general3A_239, %add3A_243 : vector<400x256xf32>
    %max3A_245 = arith.constant 0.000000e+00 : f32
    %max3A_246 = vector.broadcast %max3A_245 : f32 to vector<400x256xf32>
    %max3A_247 = arith.maximumf %add3A_244, %max3A_246 : vector<400x256xf32>
    %get3A_248 = arith.constant 0 : index
    %get3A_249 = arith.constant 3 : index
    %get3A_250 = vector.load %arg3[%get3A_248, %get3A_249] : memref<400x16xf32, #tpu.memory_space<vmem>>, vector<400x1xf32>
    %gt3A_251 = arith.constant 0.000000e+00 : f32
    %gt3A_252 = vector.broadcast %gt3A_251 : f32 to vector<400x1xf32>
    %gt3A_253 = arith.cmpf ogt, %get3A_250, %gt3A_252 : vector<400x1xf32>
    %get3A_254 = arith.constant 0 : index
    %get3A_255 = arith.constant 0 : index
    %get3A_256 = vector.load %arg11[%get3A_254, %get3A_255] : memref<400x256xf32, #tpu.memory_space<vmem>>, vector<400x256xf32>
    %jit3A_257 = arith.constant 0xFF800000 : f32
    %broadcast_in_dim3A_258 = vector.shape_cast %gt3A_253 : vector<400x1xi1> to vector<400x1xi1>
    %broadcast_in_dim3A_259 = vector.broadcast %broadcast_in_dim3A_258 : vector<400x1xi1> to vector<400x256xi1>
    %broadcast_in_dim3A_260 = vector.broadcast %jit3A_257 : f32 to vector<400x256xf32>
    %select_n3A_261 = arith.select %broadcast_in_dim3A_259, %max3A_247, %broadcast_in_dim3A_260 : vector<400x256xi1>, vector<400x256xf32>
    %max3A_262 = arith.maximumf %get3A_256, %select_n3A_261 : vector<400x256xf32>
    %swap3A_263 = arith.constant 0 : index
    %swap3A_264 = arith.constant 0 : index
    %swap3A_265 = vector.load %arg11[%swap3A_263, %swap3A_264] : memref<400x256xf32, #tpu.memory_space<vmem>>, vector<400x256xf32>
    tpu.vector_store %arg11[%swap3A_263, %swap3A_264], %max3A_262 {strides = array<i32>} : memref<400x256xf32, #tpu.memory_space<vmem>>, vector<400x256xf32>,
    %get3A_266 = arith.constant 0 : index
    %get3A_267 = arith.constant 0 : index
    %get3A_268 = vector.load %arg13[%get3A_266, %get3A_267] : memref<400x1xf32, #tpu.memory_space<vmem>>, vector<400x1xf32>
    %convert_element_type3A_269 = arith.extui %gt3A_253 : vector<400x1xi1> to vector<400x1xi32>
    %convert_element_type3A_270 = arith.sitofp %convert_element_type3A_269 : vector<400x1xi32> to vector<400x1xf32>
    %max3A_271 = arith.maximumf %get3A_268, %convert_element_type3A_270 : vector<400x1xf32>
    %swap3A_272 = arith.constant 0 : index
    %swap3A_273 = arith.constant 0 : index
    %swap3A_274 = vector.load %arg13[%swap3A_272, %swap3A_273] : memref<400x1xf32, #tpu.memory_space<vmem>>, vector<400x1xf32>
    tpu.vector_store %arg13[%swap3A_272, %swap3A_273], %max3A_271 {strides = array<i32>} : memref<400x1xf32, #tpu.memory_space<vmem>>, vector<400x1xf32>,
    %get3A_275 = arith.constant 4 : index
    %get3A_276 = arith.constant 0 : index
    %get3A_277 = arith.constant 0 : index
    %get3A_278 = vector.load %arg2[%get3A_275, %get3A_276, %get3A_277] : memref<16x400x128xf32, #tpu.memory_space<vmem>>, vector<1x400x128xf32>
    %get3A_279 = vector.shape_cast %get3A_278 : vector<1x400x128xf32> to vector<400x128xf32>
    %sub3A_280 = arith.subf %get3A_279, %dot_general3A_5 : vector<400x128xf32>
    %get3A_281 = arith.constant 0 : index
    %get3A_282 = arith.constant 0 : index
    %get3A_283 = vector.load %arg6[%get3A_281, %get3A_282] : memref<1x128xf32, #tpu.memory_space<vmem>>, vector<1x128xf32>
    %add3A_284 = vector.broadcast %get3A_283 : vector<1x128xf32> to vector<400x128xf32>
    %add3A_285 = arith.addf %sub3A_280, %add3A_284 : vector<400x128xf32>
    %max3A_286 = arith.constant 0.000000e+00 : f32
    %max3A_287 = vector.broadcast %max3A_286 : f32 to vector<400x128xf32>
    %max3A_288 = arith.maximumf %add3A_285, %max3A_287 : vector<400x128xf32>
    %get3A_289 = arith.constant 0 : index
    %get3A_290 = arith.constant 0 : index
    %get3A_291 = vector.load %arg7[%get3A_289, %get3A_290] : memref<128x128xf32, #tpu.memory_space<vmem>>, vector<128x128xf32>
    %dot_general3A_292 = arith.constant dense<0.000000e+00> : vector<400x128xf32>
    %dot_general3A_293 = tpu.matmul %max3A_288, %get3A_291, %dot_general3A_292 {dimension_numbers = #tpu.dot_dimension_numbers<[1], [0], [0], [1], [0, 0, 1, 1], [], []>, transpose_lhs_hint = false} : vector<400x128xf32>, vector<128x128xf32>, vector<400x128xf32> -> vector<400x128xf32>
    %get3A_294 = arith.constant 0 : index
    %get3A_295 = arith.constant 0 : index
    %get3A_296 = vector.load %arg8[%get3A_294, %get3A_295] : memref<1x128xf32, #tpu.memory_space<vmem>>, vector<1x128xf32>
    %add3A_297 = vector.broadcast %get3A_296 : vector<1x128xf32> to vector<400x128xf32>
    %add3A_298 = arith.addf %dot_general3A_293, %add3A_297 : vector<400x128xf32>
    %max3A_299 = arith.constant 0.000000e+00 : f32
    %max3A_300 = vector.broadcast %max3A_299 : f32 to vector<400x128xf32>
    %max3A_301 = arith.maximumf %add3A_298, %max3A_300 : vector<400x128xf32>
    %get3A_302 = arith.constant 0 : index
    %get3A_303 = arith.constant 0 : index
    %get3A_304 = vector.load %arg9[%get3A_302, %get3A_303] : memref<128x256xf32, #tpu.memory_space<vmem>>, vector<128x256xf32>
    %dot_general3A_305 = arith.constant dense<0.000000e+00> : vector<400x256xf32>
    %dot_general3A_306 = tpu.matmul %max3A_301, %get3A_304, %dot_general3A_305 {dimension_numbers = #tpu.dot_dimension_numbers<[1], [0], [0], [1], [0, 0, 1, 1], [], []>, transpose_lhs_hint = false} : vector<400x128xf32>, vector<128x256xf32>, vector<400x256xf32> -> vector<400x256xf32>
    %get3A_307 = arith.constant 0 : index
    %get3A_308 = arith.constant 0 : index
    %get3A_309 = vector.load %arg10[%get3A_307, %get3A_308] : memref<1x256xf32, #tpu.memory_space<vmem>>, vector<1x256xf32>
    %add3A_310 = vector.broadcast %get3A_309 : vector<1x256xf32> to vector<400x256xf32>
    %add3A_311 = arith.addf %dot_general3A_306, %add3A_310 : vector<400x256xf32>
    %max3A_312 = arith.constant 0.000000e+00 : f32
    %max3A_313 = vector.broadcast %max3A_312 : f32 to vector<400x256xf32>
    %max3A_314 = arith.maximumf %add3A_311, %max3A_313 : vector<400x256xf32>
    %get3A_315 = arith.constant 0 : index
    %get3A_316 = arith.constant 4 : index
    %get3A_317 = vector.load %arg3[%get3A_315, %get3A_316] : memref<400x16xf32, #tpu.memory_space<vmem>>, vector<400x1xf32>
    %gt3A_318 = arith.constant 0.000000e+00 : f32
    %gt3A_319 = vector.broadcast %gt3A_318 : f32 to vector<400x1xf32>
    %gt3A_320 = arith.cmpf ogt, %get3A_317, %gt3A_319 : vector<400x1xf32>
    %get3A_321 = arith.constant 0 : index
    %get3A_322 = arith.constant 0 : index
    %get3A_323 = vector.load %arg11[%get3A_321, %get3A_322] : memref<400x256xf32, #tpu.memory_space<vmem>>, vector<400x256xf32>
    %jit3A_324 = arith.constant 0xFF800000 : f32
    %broadcast_in_dim3A_325 = vector.shape_cast %gt3A_320 : vector<400x1xi1> to vector<400x1xi1>
    %broadcast_in_dim3A_326 = vector.broadcast %broadcast_in_dim3A_325 : vector<400x1xi1> to vector<400x256xi1>
    %broadcast_in_dim3A_327 = vector.broadcast %jit3A_324 : f32 to vector<400x256xf32>
    %select_n3A_328 = arith.select %broadcast_in_dim3A_326, %max3A_314, %broadcast_in_dim3A_327 : vector<400x256xi1>, vector<400x256xf32>
    %max3A_329 = arith.maximumf %get3A_323, %select_n3A_328 : vector<400x256xf32>
    %swap3A_330 = arith.constant 0 : index
    %swap3A_331 = arith.constant 0 : index
    %swap3A_332 = vector.load %arg11[%swap3A_330, %swap3A_331] : memref<400x256xf32, #tpu.memory_space<vmem>>, vector<400x256xf32>
    tpu.vector_store %arg11[%swap3A_330, %swap3A_331], %max3A_329 {strides = array<i32>} : memref<400x256xf32, #tpu.memory_space<vmem>>, vector<400x256xf32>,
    %get3A_333 = arith.constant 0 : index
    %get3A_334 = arith.constant 0 : index
    %get3A_335 = vector.load %arg13[%get3A_333, %get3A_334] : memref<400x1xf32, #tpu.memory_space<vmem>>, vector<400x1xf32>
    %convert_element_type3A_336 = arith.extui %gt3A_320 : vector<400x1xi1> to vector<400x1xi32>
    %convert_element_type3A_337 = arith.sitofp %convert_element_type3A_336 : vector<400x1xi32> to vector<400x1xf32>
    %max3A_338 = arith.maximumf %get3A_335, %convert_element_type3A_337 : vector<400x1xf32>
    %swap3A_339 = arith.constant 0 : index
    %swap3A_340 = arith.constant 0 : index
    %swap3A_341 = vector.load %arg13[%swap3A_339, %swap3A_340] : memref<400x1xf32, #tpu.memory_space<vmem>>, vector<400x1xf32>
    tpu.vector_store %arg13[%swap3A_339, %swap3A_340], %max3A_338 {strides = array<i32>} : memref<400x1xf32, #tpu.memory_space<vmem>>, vector<400x1xf32>,
    %get3A_342 = arith.constant 5 : index
    %get3A_343 = arith.constant 0 : index
    %get3A_344 = arith.constant 0 : index
    %get3A_345 = vector.load %arg2[%get3A_342, %get3A_343, %get3A_344] : memref<16x400x128xf32, #tpu.memory_space<vmem>>, vector<1x400x128xf32>
    %get3A_346 = vector.shape_cast %get3A_345 : vector<1x400x128xf32> to vector<400x128xf32>
    %sub3A_347 = arith.subf %get3A_346, %dot_general3A_5 : vector<400x128xf32>
    %get3A_348 = arith.constant 0 : index
    %get3A_349 = arith.constant 0 : index
    %get3A_350 = vector.load %arg6[%get3A_348, %get3A_349] : memref<1x128xf32, #tpu.memory_space<vmem>>, vector<1x128xf32>
    %add3A_351 = vector.broadcast %get3A_350 : vector<1x128xf32> to vector<400x128xf32>
    %add3A_352 = arith.addf %sub3A_347, %add3A_351 : vector<400x128xf32>
    %max3A_353 = arith.constant 0.000000e+00 : f32
    %max3A_354 = vector.broadcast %max3A_353 : f32 to vector<400x128xf32>
    %max3A_355 = arith.maximumf %add3A_352, %max3A_354 : vector<400x128xf32>
    %get3A_356 = arith.constant 0 : index
    %get3A_357 = arith.constant 0 : index
    %get3A_358 = vector.load %arg7[%get3A_356, %get3A_357] : memref<128x128xf32, #tpu.memory_space<vmem>>, vector<128x128xf32>
    %dot_general3A_359 = arith.constant dense<0.000000e+00> : vector<400x128xf32>
    %dot_general3A_360 = tpu.matmul %max3A_355, %get3A_358, %dot_general3A_359 {dimension_numbers = #tpu.dot_dimension_numbers<[1], [0], [0], [1], [0, 0, 1, 1], [], []>, transpose_lhs_hint = false} : vector<400x128xf32>, vector<128x128xf32>, vector<400x128xf32> -> vector<400x128xf32>
    %get3A_361 = arith.constant 0 : index
    %get3A_362 = arith.constant 0 : index
    %get3A_363 = vector.load %arg8[%get3A_361, %get3A_362] : memref<1x128xf32, #tpu.memory_space<vmem>>, vector<1x128xf32>
    %add3A_364 = vector.broadcast %get3A_363 : vector<1x128xf32> to vector<400x128xf32>
    %add3A_365 = arith.addf %dot_general3A_360, %add3A_364 : vector<400x128xf32>
    %max3A_366 = arith.constant 0.000000e+00 : f32
    %max3A_367 = vector.broadcast %max3A_366 : f32 to vector<400x128xf32>
    %max3A_368 = arith.maximumf %add3A_365, %max3A_367 : vector<400x128xf32>
    %get3A_369 = arith.constant 0 : index
    %get3A_370 = arith.constant 0 : index
    %get3A_371 = vector.load %arg9[%get3A_369, %get3A_370] : memref<128x256xf32, #tpu.memory_space<vmem>>, vector<128x256xf32>
    %dot_general3A_372 = arith.constant dense<0.000000e+00> : vector<400x256xf32>
    %dot_general3A_373 = tpu.matmul %max3A_368, %get3A_371, %dot_general3A_372 {dimension_numbers = #tpu.dot_dimension_numbers<[1], [0], [0], [1], [0, 0, 1, 1], [], []>, transpose_lhs_hint = false} : vector<400x128xf32>, vector<128x256xf32>, vector<400x256xf32> -> vector<400x256xf32>
    %get3A_374 = arith.constant 0 : index
    %get3A_375 = arith.constant 0 : index
    %get3A_376 = vector.load %arg10[%get3A_374, %get3A_375] : memref<1x256xf32, #tpu.memory_space<vmem>>, vector<1x256xf32>
    %add3A_377 = vector.broadcast %get3A_376 : vector<1x256xf32> to vector<400x256xf32>
    %add3A_378 = arith.addf %dot_general3A_373, %add3A_377 : vector<400x256xf32>
    %max3A_379 = arith.constant 0.000000e+00 : f32
    %max3A_380 = vector.broadcast %max3A_379 : f32 to vector<400x256xf32>
    %max3A_381 = arith.maximumf %add3A_378, %max3A_380 : vector<400x256xf32>
    %get3A_382 = arith.constant 0 : index
    %get3A_383 = arith.constant 5 : index
    %get3A_384 = vector.load %arg3[%get3A_382, %get3A_383] : memref<400x16xf32, #tpu.memory_space<vmem>>, vector<400x1xf32>
    %gt3A_385 = arith.constant 0.000000e+00 : f32
    %gt3A_386 = vector.broadcast %gt3A_385 : f32 to vector<400x1xf32>
    %gt3A_387 = arith.cmpf ogt, %get3A_384, %gt3A_386 : vector<400x1xf32>
    %get3A_388 = arith.constant 0 : index
    %get3A_389 = arith.constant 0 : index
    %get3A_390 = vector.load %arg11[%get3A_388, %get3A_389] : memref<400x256xf32, #tpu.memory_space<vmem>>, vector<400x256xf32>
    %jit3A_391 = arith.constant 0xFF800000 : f32
    %broadcast_in_dim3A_392 = vector.shape_cast %gt3A_387 : vector<400x1xi1> to vector<400x1xi1>
    %broadcast_in_dim3A_393 = vector.broadcast %broadcast_in_dim3A_392 : vector<400x1xi1> to vector<400x256xi1>
    %broadcast_in_dim3A_394 = vector.broadcast %jit3A_391 : f32 to vector<400x256xf32>
    %select_n3A_395 = arith.select %broadcast_in_dim3A_393, %max3A_381, %broadcast_in_dim3A_394 : vector<400x256xi1>, vector<400x256xf32>
    %max3A_396 = arith.maximumf %get3A_390, %select_n3A_395 : vector<400x256xf32>
    %swap3A_397 = arith.constant 0 : index
    %swap3A_398 = arith.constant 0 : index
    %swap3A_399 = vector.load %arg11[%swap3A_397, %swap3A_398] : memref<400x256xf32, #tpu.memory_space<vmem>>, vector<400x256xf32>
    tpu.vector_store %arg11[%swap3A_397, %swap3A_398], %max3A_396 {strides = array<i32>} : memref<400x256xf32, #tpu.memory_space<vmem>>, vector<400x256xf32>,
    %get3A_400 = arith.constant 0 : index
    %get3A_401 = arith.constant 0 : index
    %get3A_402 = vector.load %arg13[%get3A_400, %get3A_401] : memref<400x1xf32, #tpu.memory_space<vmem>>, vector<400x1xf32>
    %convert_element_type3A_403 = arith.extui %gt3A_387 : vector<400x1xi1> to vector<400x1xi32>
    %convert_element_type3A_404 = arith.sitofp %convert_element_type3A_403 : vector<400x1xi32> to vector<400x1xf32>
    %max3A_405 = arith.maximumf %get3A_402, %convert_element_type3A_404 : vector<400x1xf32>
    %swap3A_406 = arith.constant 0 : index
    %swap3A_407 = arith.constant 0 : index
    %swap3A_408 = vector.load %arg13[%swap3A_406, %swap3A_407] : memref<400x1xf32, #tpu.memory_space<vmem>>, vector<400x1xf32>
    tpu.vector_store %arg13[%swap3A_406, %swap3A_407], %max3A_405 {strides = array<i32>} : memref<400x1xf32, #tpu.memory_space<vmem>>, vector<400x1xf32>,
    %get3A_409 = arith.constant 6 : index
    %get3A_410 = arith.constant 0 : index
    %get3A_411 = arith.constant 0 : index
    %get3A_412 = vector.load %arg2[%get3A_409, %get3A_410, %get3A_411] : memref<16x400x128xf32, #tpu.memory_space<vmem>>, vector<1x400x128xf32>
    %get3A_413 = vector.shape_cast %get3A_412 : vector<1x400x128xf32> to vector<400x128xf32>
    %sub3A_414 = arith.subf %get3A_413, %dot_general3A_5 : vector<400x128xf32>
    %get3A_415 = arith.constant 0 : index
    %get3A_416 = arith.constant 0 : index
    %get3A_417 = vector.load %arg6[%get3A_415, %get3A_416] : memref<1x128xf32, #tpu.memory_space<vmem>>, vector<1x128xf32>
    %add3A_418 = vector.broadcast %get3A_417 : vector<1x128xf32> to vector<400x128xf32>
    %add3A_419 = arith.addf %sub3A_414, %add3A_418 : vector<400x128xf32>
    %max3A_420 = arith.constant 0.000000e+00 : f32
    %max3A_421 = vector.broadcast %max3A_420 : f32 to vector<400x128xf32>
    %max3A_422 = arith.maximumf %add3A_419, %max3A_421 : vector<400x128xf32>
    %get3A_423 = arith.constant 0 : index
    %get3A_424 = arith.constant 0 : index
    %get3A_425 = vector.load %arg7[%get3A_423, %get3A_424] : memref<128x128xf32, #tpu.memory_space<vmem>>, vector<128x128xf32>
    %dot_general3A_426 = arith.constant dense<0.000000e+00> : vector<400x128xf32>
    %dot_general3A_427 = tpu.matmul %max3A_422, %get3A_425, %dot_general3A_426 {dimension_numbers = #tpu.dot_dimension_numbers<[1], [0], [0], [1], [0, 0, 1, 1], [], []>, transpose_lhs_hint = false} : vector<400x128xf32>, vector<128x128xf32>, vector<400x128xf32> -> vector<400x128xf32>
    %get3A_428 = arith.constant 0 : index
    %get3A_429 = arith.constant 0 : index
    %get3A_430 = vector.load %arg8[%get3A_428, %get3A_429] : memref<1x128xf32, #tpu.memory_space<vmem>>, vector<1x128xf32>
    %add3A_431 = vector.broadcast %get3A_430 : vector<1x128xf32> to vector<400x128xf32>
    %add3A_432 = arith.addf %dot_general3A_427, %add3A_431 : vector<400x128xf32>
    %max3A_433 = arith.constant 0.000000e+00 : f32
    %max3A_434 = vector.broadcast %max3A_433 : f32 to vector<400x128xf32>
    %max3A_435 = arith.maximumf %add3A_432, %max3A_434 : vector<400x128xf32>
    %get3A_436 = arith.constant 0 : index
    %get3A_437 = arith.constant 0 : index
    %get3A_438 = vector.load %arg9[%get3A_436, %get3A_437] : memref<128x256xf32, #tpu.memory_space<vmem>>, vector<128x256xf32>
    %dot_general3A_439 = arith.constant dense<0.000000e+00> : vector<400x256xf32>
    %dot_general3A_440 = tpu.matmul %max3A_435, %get3A_438, %dot_general3A_439 {dimension_numbers = #tpu.dot_dimension_numbers<[1], [0], [0], [1], [0, 0, 1, 1], [], []>, transpose_lhs_hint = false} : vector<400x128xf32>, vector<128x256xf32>, vector<400x256xf32> -> vector<400x256xf32>
    %get3A_441 = arith.constant 0 : index
    %get3A_442 = arith.constant 0 : index
    %get3A_443 = vector.load %arg10[%get3A_441, %get3A_442] : memref<1x256xf32, #tpu.memory_space<vmem>>, vector<1x256xf32>
    %add3A_444 = vector.broadcast %get3A_443 : vector<1x256xf32> to vector<400x256xf32>
    %add3A_445 = arith.addf %dot_general3A_440, %add3A_444 : vector<400x256xf32>
    %max3A_446 = arith.constant 0.000000e+00 : f32
    %max3A_447 = vector.broadcast %max3A_446 : f32 to vector<400x256xf32>
    %max3A_448 = arith.maximumf %add3A_445, %max3A_447 : vector<400x256xf32>
    %get3A_449 = arith.constant 0 : index
    %get3A_450 = arith.constant 6 : index
    %get3A_451 = vector.load %arg3[%get3A_449, %get3A_450] : memref<400x16xf32, #tpu.memory_space<vmem>>, vector<400x1xf32>
    %gt3A_452 = arith.constant 0.000000e+00 : f32
    %gt3A_453 = vector.broadcast %gt3A_452 : f32 to vector<400x1xf32>
    %gt3A_454 = arith.cmpf ogt, %get3A_451, %gt3A_453 : vector<400x1xf32>
    %get3A_455 = arith.constant 0 : index
    %get3A_456 = arith.constant 0 : index
    %get3A_457 = vector.load %arg11[%get3A_455, %get3A_456] : memref<400x256xf32, #tpu.memory_space<vmem>>, vector<400x256xf32>
    %jit3A_458 = arith.constant 0xFF800000 : f32
    %broadcast_in_dim3A_459 = vector.shape_cast %gt3A_454 : vector<400x1xi1> to vector<400x1xi1>
    %broadcast_in_dim3A_460 = vector.broadcast %broadcast_in_dim3A_459 : vector<400x1xi1> to vector<400x256xi1>
    %broadcast_in_dim3A_461 = vector.broadcast %jit3A_458 : f32 to vector<400x256xf32>
    %select_n3A_462 = arith.select %broadcast_in_dim3A_460, %max3A_448, %broadcast_in_dim3A_461 : vector<400x256xi1>, vector<400x256xf32>
    %max3A_463 = arith.maximumf %get3A_457, %select_n3A_462 : vector<400x256xf32>
    %swap3A_464 = arith.constant 0 : index
    %swap3A_465 = arith.constant 0 : index
    %swap3A_466 = vector.load %arg11[%swap3A_464, %swap3A_465] : memref<400x256xf32, #tpu.memory_space<vmem>>, vector<400x256xf32>
    tpu.vector_store %arg11[%swap3A_464, %swap3A_465], %max3A_463 {strides = array<i32>} : memref<400x256xf32, #tpu.memory_space<vmem>>, vector<400x256xf32>,
    %get3A_467 = arith.constant 0 : index
    %get3A_468 = arith.constant 0 : index
    %get3A_469 = vector.load %arg13[%get3A_467, %get3A_468] : memref<400x1xf32, #tpu.memory_space<vmem>>, vector<400x1xf32>
    %convert_element_type3A_470 = arith.extui %gt3A_454 : vector<400x1xi1> to vector<400x1xi32>
    %convert_element_type3A_471 = arith.sitofp %convert_element_type3A_470 : vector<400x1xi32> to vector<400x1xf32>
    %max3A_472 = arith.maximumf %get3A_469, %convert_element_type3A_471 : vector<400x1xf32>
    %swap3A_473 = arith.constant 0 : index
    %swap3A_474 = arith.constant 0 : index
    %swap3A_475 = vector.load %arg13[%swap3A_473, %swap3A_474] : memref<400x1xf32, #tpu.memory_space<vmem>>, vector<400x1xf32>
    tpu.vector_store %arg13[%swap3A_473, %swap3A_474], %max3A_472 {strides = array<i32>} : memref<400x1xf32, #tpu.memory_space<vmem>>, vector<400x1xf32>,
    %get3A_476 = arith.constant 7 : index
    %get3A_477 = arith.constant 0 : index
    %get3A_478 = arith.constant 0 : index
    %get3A_479 = vector.load %arg2[%get3A_476, %get3A_477, %get3A_478] : memref<16x400x128xf32, #tpu.memory_space<vmem>>, vector<1x400x128xf32>
    %get3A_480 = vector.shape_cast %get3A_479 : vector<1x400x128xf32> to vector<400x128xf32>
    %sub3A_481 = arith.subf %get3A_480, %dot_general3A_5 : vector<400x128xf32>
    %get3A_482 = arith.constant 0 : index
    %get3A_483 = arith.constant 0 : index
    %get3A_484 = vector.load %arg6[%get3A_482, %get3A_483] : memref<1x128xf32, #tpu.memory_space<vmem>>, vector<1x128xf32>
    %add3A_485 = vector.broadcast %get3A_484 : vector<1x128xf32> to vector<400x128xf32>
    %add3A_486 = arith.addf %sub3A_481, %add3A_485 : vector<400x128xf32>
    %max3A_487 = arith.constant 0.000000e+00 : f32
    %max3A_488 = vector.broadcast %max3A_487 : f32 to vector<400x128xf32>
    %max3A_489 = arith.maximumf %add3A_486, %max3A_488 : vector<400x128xf32>
    %get3A_490 = arith.constant 0 : index
    %get3A_491 = arith.constant 0 : index
    %get3A_492 = vector.load %arg7[%get3A_490, %get3A_491] : memref<128x128xf32, #tpu.memory_space<vmem>>, vector<128x128xf32>
    %dot_general3A_493 = arith.constant dense<0.000000e+00> : vector<400x128xf32>
    %dot_general3A_494 = tpu.matmul %max3A_489, %get3A_492, %dot_general3A_493 {dimension_numbers = #tpu.dot_dimension_numbers<[1], [0], [0], [1], [0, 0, 1, 1], [], []>, transpose_lhs_hint = false} : vector<400x128xf32>, vector<128x128xf32>, vector<400x128xf32> -> vector<400x128xf32>
    %get3A_495 = arith.constant 0 : index
    %get3A_496 = arith.constant 0 : index
    %get3A_497 = vector.load %arg8[%get3A_495, %get3A_496] : memref<1x128xf32, #tpu.memory_space<vmem>>, vector<1x128xf32>
    %add3A_498 = vector.broadcast %get3A_497 : vector<1x128xf32> to vector<400x128xf32>
    %add3A_499 = arith.addf %dot_general3A_494, %add3A_498 : vector<400x128xf32>
    %max3A_500 = arith.constant 0.000000e+00 : f32
    %max3A_501 = vector.broadcast %max3A_500 : f32 to vector<400x128xf32>
    %max3A_502 = arith.maximumf %add3A_499, %max3A_501 : vector<400x128xf32>
    %get3A_503 = arith.constant 0 : index
    %get3A_504 = arith.constant 0 : index
    %get3A_505 = vector.load %arg9[%get3A_503, %get3A_504] : memref<128x256xf32, #tpu.memory_space<vmem>>, vector<128x256xf32>
    %dot_general3A_506 = arith.constant dense<0.000000e+00> : vector<400x256xf32>
    %dot_general3A_507 = tpu.matmul %max3A_502, %get3A_505, %dot_general3A_506 {dimension_numbers = #tpu.dot_dimension_numbers<[1], [0], [0], [1], [0, 0, 1, 1], [], []>, transpose_lhs_hint = false} : vector<400x128xf32>, vector<128x256xf32>, vector<400x256xf32> -> vector<400x256xf32>
    %get3A_508 = arith.constant 0 : index
    %get3A_509 = arith.constant 0 : index
    %get3A_510 = vector.load %arg10[%get3A_508, %get3A_509] : memref<1x256xf32, #tpu.memory_space<vmem>>, vector<1x256xf32>
    %add3A_511 = vector.broadcast %get3A_510 : vector<1x256xf32> to vector<400x256xf32>
    %add3A_512 = arith.addf %dot_general3A_507, %add3A_511 : vector<400x256xf32>
    %max3A_513 = arith.constant 0.000000e+00 : f32
    %max3A_514 = vector.broadcast %max3A_513 : f32 to vector<400x256xf32>
    %max3A_515 = arith.maximumf %add3A_512, %max3A_514 : vector<400x256xf32>
    %get3A_516 = arith.constant 0 : index
    %get3A_517 = arith.constant 7 : index
    %get3A_518 = vector.load %arg3[%get3A_516, %get3A_517] : memref<400x16xf32, #tpu.memory_space<vmem>>, vector<400x1xf32>
    %gt3A_519 = arith.constant 0.000000e+00 : f32
    %gt3A_520 = vector.broadcast %gt3A_519 : f32 to vector<400x1xf32>
    %gt3A_521 = arith.cmpf ogt, %get3A_518, %gt3A_520 : vector<400x1xf32>
    %get3A_522 = arith.constant 0 : index
    %get3A_523 = arith.constant 0 : index
    %get3A_524 = vector.load %arg11[%get3A_522, %get3A_523] : memref<400x256xf32, #tpu.memory_space<vmem>>, vector<400x256xf32>
    %jit3A_525 = arith.constant 0xFF800000 : f32
    %broadcast_in_dim3A_526 = vector.shape_cast %gt3A_521 : vector<400x1xi1> to vector<400x1xi1>
    %broadcast_in_dim3A_527 = vector.broadcast %broadcast_in_dim3A_526 : vector<400x1xi1> to vector<400x256xi1>
    %broadcast_in_dim3A_528 = vector.broadcast %jit3A_525 : f32 to vector<400x256xf32>
    %select_n3A_529 = arith.select %broadcast_in_dim3A_527, %max3A_515, %broadcast_in_dim3A_528 : vector<400x256xi1>, vector<400x256xf32>
    %max3A_530 = arith.maximumf %get3A_524, %select_n3A_529 : vector<400x256xf32>
    %swap3A_531 = arith.constant 0 : index
    %swap3A_532 = arith.constant 0 : index
    %swap3A_533 = vector.load %arg11[%swap3A_531, %swap3A_532] : memref<400x256xf32, #tpu.memory_space<vmem>>, vector<400x256xf32>
    tpu.vector_store %arg11[%swap3A_531, %swap3A_532], %max3A_530 {strides = array<i32>} : memref<400x256xf32, #tpu.memory_space<vmem>>, vector<400x256xf32>,
    %get3A_534 = arith.constant 0 : index
    %get3A_535 = arith.constant 0 : index
    %get3A_536 = vector.load %arg13[%get3A_534, %get3A_535] : memref<400x1xf32, #tpu.memory_space<vmem>>, vector<400x1xf32>
    %convert_element_type3A_537 = arith.extui %gt3A_521 : vector<400x1xi1> to vector<400x1xi32>
    %convert_element_type3A_538 = arith.sitofp %convert_element_type3A_537 : vector<400x1xi32> to vector<400x1xf32>
    %max3A_539 = arith.maximumf %get3A_536, %convert_element_type3A_538 : vector<400x1xf32>
    %swap3A_540 = arith.constant 0 : index
    %swap3A_541 = arith.constant 0 : index
    %swap3A_542 = vector.load %arg13[%swap3A_540, %swap3A_541] : memref<400x1xf32, #tpu.memory_space<vmem>>, vector<400x1xf32>
    tpu.vector_store %arg13[%swap3A_540, %swap3A_541], %max3A_539 {strides = array<i32>} : memref<400x1xf32, #tpu.memory_space<vmem>>, vector<400x1xf32>,
    %get3A_543 = arith.constant 8 : index
    %get3A_544 = arith.constant 0 : index
    %get3A_545 = arith.constant 0 : index
    %get3A_546 = vector.load %arg2[%get3A_543, %get3A_544, %get3A_545] : memref<16x400x128xf32, #tpu.memory_space<vmem>>, vector<1x400x128xf32>
    %get3A_547 = vector.shape_cast %get3A_546 : vector<1x400x128xf32> to vector<400x128xf32>
    %sub3A_548 = arith.subf %get3A_547, %dot_general3A_5 : vector<400x128xf32>
    %get3A_549 = arith.constant 0 : index
    %get3A_550 = arith.constant 0 : index
    %get3A_551 = vector.load %arg6[%get3A_549, %get3A_550] : memref<1x128xf32, #tpu.memory_space<vmem>>, vector<1x128xf32>
    %add3A_552 = vector.broadcast %get3A_551 : vector<1x128xf32> to vector<400x128xf32>
    %add3A_553 = arith.addf %sub3A_548, %add3A_552 : vector<400x128xf32>
    %max3A_554 = arith.constant 0.000000e+00 : f32
    %max3A_555 = vector.broadcast %max3A_554 : f32 to vector<400x128xf32>
    %max3A_556 = arith.maximumf %add3A_553, %max3A_555 : vector<400x128xf32>
    %get3A_557 = arith.constant 0 : index
    %get3A_558 = arith.constant 0 : index
    %get3A_559 = vector.load %arg7[%get3A_557, %get3A_558] : memref<128x128xf32, #tpu.memory_space<vmem>>, vector<128x128xf32>
    %dot_general3A_560 = arith.constant dense<0.000000e+00> : vector<400x128xf32>
    %dot_general3A_561 = tpu.matmul %max3A_556, %get3A_559, %dot_general3A_560 {dimension_numbers = #tpu.dot_dimension_numbers<[1], [0], [0], [1], [0, 0, 1, 1], [], []>, transpose_lhs_hint = false} : vector<400x128xf32>, vector<128x128xf32>, vector<400x128xf32> -> vector<400x128xf32>
    %get3A_562 = arith.constant 0 : index
    %get3A_563 = arith.constant 0 : index
    %get3A_564 = vector.load %arg8[%get3A_562, %get3A_563] : memref<1x128xf32, #tpu.memory_space<vmem>>, vector<1x128xf32>
    %add3A_565 = vector.broadcast %get3A_564 : vector<1x128xf32> to vector<400x128xf32>
    %add3A_566 = arith.addf %dot_general3A_561, %add3A_565 : vector<400x128xf32>
    %max3A_567 = arith.constant 0.000000e+00 : f32
    %max3A_568 = vector.broadcast %max3A_567 : f32 to vector<400x128xf32>
    %max3A_569 = arith.maximumf %add3A_566, %max3A_568 : vector<400x128xf32>
    %get3A_570 = arith.constant 0 : index
    %get3A_571 = arith.constant 0 : index
    %get3A_572 = vector.load %arg9[%get3A_570, %get3A_571] : memref<128x256xf32, #tpu.memory_space<vmem>>, vector<128x256xf32>
    %dot_general3A_573 = arith.constant dense<0.000000e+00> : vector<400x256xf32>
    %dot_general3A_574 = tpu.matmul %max3A_569, %get3A_572, %dot_general3A_573 {dimension_numbers = #tpu.dot_dimension_numbers<[1], [0], [0], [1], [0, 0, 1, 1], [], []>, transpose_lhs_hint = false} : vector<400x128xf32>, vector<128x256xf32>, vector<400x256xf32> -> vector<400x256xf32>
    %get3A_575 = arith.constant 0 : index
    %get3A_576 = arith.constant 0 : index
    %get3A_577 = vector.load %arg10[%get3A_575, %get3A_576] : memref<1x256xf32, #tpu.memory_space<vmem>>, vector<1x256xf32>
    %add3A_578 = vector.broadcast %get3A_577 : vector<1x256xf32> to vector<400x256xf32>
    %add3A_579 = arith.addf %dot_general3A_574, %add3A_578 : vector<400x256xf32>
    %max3A_580 = arith.constant 0.000000e+00 : f32
    %max3A_581 = vector.broadcast %max3A_580 : f32 to vector<400x256xf32>
    %max3A_582 = arith.maximumf %add3A_579, %max3A_581 : vector<400x256xf32>
    %get3A_583 = arith.constant 0 : index
    %get3A_584 = arith.constant 8 : index
    %get3A_585 = vector.load %arg3[%get3A_583, %get3A_584] : memref<400x16xf32, #tpu.memory_space<vmem>>, vector<400x1xf32>
    %gt3A_586 = arith.constant 0.000000e+00 : f32
    %gt3A_587 = vector.broadcast %gt3A_586 : f32 to vector<400x1xf32>
    %gt3A_588 = arith.cmpf ogt, %get3A_585, %gt3A_587 : vector<400x1xf32>
    %get3A_589 = arith.constant 0 : index
    %get3A_590 = arith.constant 0 : index
    %get3A_591 = vector.load %arg11[%get3A_589, %get3A_590] : memref<400x256xf32, #tpu.memory_space<vmem>>, vector<400x256xf32>
    %jit3A_592 = arith.constant 0xFF800000 : f32
    %broadcast_in_dim3A_593 = vector.shape_cast %gt3A_588 : vector<400x1xi1> to vector<400x1xi1>
    %broadcast_in_dim3A_594 = vector.broadcast %broadcast_in_dim3A_593 : vector<400x1xi1> to vector<400x256xi1>
    %broadcast_in_dim3A_595 = vector.broadcast %jit3A_592 : f32 to vector<400x256xf32>
    %select_n3A_596 = arith.select %broadcast_in_dim3A_594, %max3A_582, %broadcast_in_dim3A_595 : vector<400x256xi1>, vector<400x256xf32>
    %max3A_597 = arith.maximumf %get3A_591, %select_n3A_596 : vector<400x256xf32>
    %swap3A_598 = arith.constant 0 : index
    %swap3A_599 = arith.constant 0 : index
    %swap3A_600 = vector.load %arg11[%swap3A_598, %swap3A_599] : memref<400x256xf32, #tpu.memory_space<vmem>>, vector<400x256xf32>
    tpu.vector_store %arg11[%swap3A_598, %swap3A_599], %max3A_597 {strides = array<i32>} : memref<400x256xf32, #tpu.memory_space<vmem>>, vector<400x256xf32>,
    %get3A_601 = arith.constant 0 : index
    %get3A_602 = arith.constant 0 : index
    %get3A_603 = vector.load %arg13[%get3A_601, %get3A_602] : memref<400x1xf32, #tpu.memory_space<vmem>>, vector<400x1xf32>
    %convert_element_type3A_604 = arith.extui %gt3A_588 : vector<400x1xi1> to vector<400x1xi32>
    %convert_element_type3A_605 = arith.sitofp %convert_element_type3A_604 : vector<400x1xi32> to vector<400x1xf32>
    %max3A_606 = arith.maximumf %get3A_603, %convert_element_type3A_605 : vector<400x1xf32>
    %swap3A_607 = arith.constant 0 : index
    %swap3A_608 = arith.constant 0 : index
    %swap3A_609 = vector.load %arg13[%swap3A_607, %swap3A_608] : memref<400x1xf32, #tpu.memory_space<vmem>>, vector<400x1xf32>
    tpu.vector_store %arg13[%swap3A_607, %swap3A_608], %max3A_606 {strides = array<i32>} : memref<400x1xf32, #tpu.memory_space<vmem>>, vector<400x1xf32>,
    %get3A_610 = arith.constant 9 : index
    %get3A_611 = arith.constant 0 : index
    %get3A_612 = arith.constant 0 : index
    %get3A_613 = vector.load %arg2[%get3A_610, %get3A_611, %get3A_612] : memref<16x400x128xf32, #tpu.memory_space<vmem>>, vector<1x400x128xf32>
    %get3A_614 = vector.shape_cast %get3A_613 : vector<1x400x128xf32> to vector<400x128xf32>
    %sub3A_615 = arith.subf %get3A_614, %dot_general3A_5 : vector<400x128xf32>
    %get3A_616 = arith.constant 0 : index
    %get3A_617 = arith.constant 0 : index
    %get3A_618 = vector.load %arg6[%get3A_616, %get3A_617] : memref<1x128xf32, #tpu.memory_space<vmem>>, vector<1x128xf32>
    %add3A_619 = vector.broadcast %get3A_618 : vector<1x128xf32> to vector<400x128xf32>
    %add3A_620 = arith.addf %sub3A_615, %add3A_619 : vector<400x128xf32>
    %max3A_621 = arith.constant 0.000000e+00 : f32
    %max3A_622 = vector.broadcast %max3A_621 : f32 to vector<400x128xf32>
    %max3A_623 = arith.maximumf %add3A_620, %max3A_622 : vector<400x128xf32>
    %get3A_624 = arith.constant 0 : index
    %get3A_625 = arith.constant 0 : index
    %get3A_626 = vector.load %arg7[%get3A_624, %get3A_625] : memref<128x128xf32, #tpu.memory_space<vmem>>, vector<128x128xf32>
    %dot_general3A_627 = arith.constant dense<0.000000e+00> : vector<400x128xf32>
    %dot_general3A_628 = tpu.matmul %max3A_623, %get3A_626, %dot_general3A_627 {dimension_numbers = #tpu.dot_dimension_numbers<[1], [0], [0], [1], [0, 0, 1, 1], [], []>, transpose_lhs_hint = false} : vector<400x128xf32>, vector<128x128xf32>, vector<400x128xf32> -> vector<400x128xf32>
    %get3A_629 = arith.constant 0 : index
    %get3A_630 = arith.constant 0 : index
    %get3A_631 = vector.load %arg8[%get3A_629, %get3A_630] : memref<1x128xf32, #tpu.memory_space<vmem>>, vector<1x128xf32>
    %add3A_632 = vector.broadcast %get3A_631 : vector<1x128xf32> to vector<400x128xf32>
    %add3A_633 = arith.addf %dot_general3A_628, %add3A_632 : vector<400x128xf32>
    %max3A_634 = arith.constant 0.000000e+00 : f32
    %max3A_635 = vector.broadcast %max3A_634 : f32 to vector<400x128xf32>
    %max3A_636 = arith.maximumf %add3A_633, %max3A_635 : vector<400x128xf32>
    %get3A_637 = arith.constant 0 : index
    %get3A_638 = arith.constant 0 : index
    %get3A_639 = vector.load %arg9[%get3A_637, %get3A_638] : memref<128x256xf32, #tpu.memory_space<vmem>>, vector<128x256xf32>
    %dot_general3A_640 = arith.constant dense<0.000000e+00> : vector<400x256xf32>
    %dot_general3A_641 = tpu.matmul %max3A_636, %get3A_639, %dot_general3A_640 {dimension_numbers = #tpu.dot_dimension_numbers<[1], [0], [0], [1], [0, 0, 1, 1], [], []>, transpose_lhs_hint = false} : vector<400x128xf32>, vector<128x256xf32>, vector<400x256xf32> -> vector<400x256xf32>
    %get3A_642 = arith.constant 0 : index
    %get3A_643 = arith.constant 0 : index
    %get3A_644 = vector.load %arg10[%get3A_642, %get3A_643] : memref<1x256xf32, #tpu.memory_space<vmem>>, vector<1x256xf32>
    %add3A_645 = vector.broadcast %get3A_644 : vector<1x256xf32> to vector<400x256xf32>
    %add3A_646 = arith.addf %dot_general3A_641, %add3A_645 : vector<400x256xf32>
    %max3A_647 = arith.constant 0.000000e+00 : f32
    %max3A_648 = vector.broadcast %max3A_647 : f32 to vector<400x256xf32>
    %max3A_649 = arith.maximumf %add3A_646, %max3A_648 : vector<400x256xf32>
    %get3A_650 = arith.constant 0 : index
    %get3A_651 = arith.constant 9 : index
    %get3A_652 = vector.load %arg3[%get3A_650, %get3A_651] : memref<400x16xf32, #tpu.memory_space<vmem>>, vector<400x1xf32>
    %gt3A_653 = arith.constant 0.000000e+00 : f32
    %gt3A_654 = vector.broadcast %gt3A_653 : f32 to vector<400x1xf32>
    %gt3A_655 = arith.cmpf ogt, %get3A_652, %gt3A_654 : vector<400x1xf32>
    %get3A_656 = arith.constant 0 : index
    %get3A_657 = arith.constant 0 : index
    %get3A_658 = vector.load %arg11[%get3A_656, %get3A_657] : memref<400x256xf32, #tpu.memory_space<vmem>>, vector<400x256xf32>
    %jit3A_659 = arith.constant 0xFF800000 : f32
    %broadcast_in_dim3A_660 = vector.shape_cast %gt3A_655 : vector<400x1xi1> to vector<400x1xi1>
    %broadcast_in_dim3A_661 = vector.broadcast %broadcast_in_dim3A_660 : vector<400x1xi1> to vector<400x256xi1>
    %broadcast_in_dim3A_662 = vector.broadcast %jit3A_659 : f32 to vector<400x256xf32>
    %select_n3A_663 = arith.select %broadcast_in_dim3A_661, %max3A_649, %broadcast_in_dim3A_662 : vector<400x256xi1>, vector<400x256xf32>
    %max3A_664 = arith.maximumf %get3A_658, %select_n3A_663 : vector<400x256xf32>
    %swap3A_665 = arith.constant 0 : index
    %swap3A_666 = arith.constant 0 : index
    %swap3A_667 = vector.load %arg11[%swap3A_665, %swap3A_666] : memref<400x256xf32, #tpu.memory_space<vmem>>, vector<400x256xf32>
    tpu.vector_store %arg11[%swap3A_665, %swap3A_666], %max3A_664 {strides = array<i32>} : memref<400x256xf32, #tpu.memory_space<vmem>>, vector<400x256xf32>,
    %get3A_668 = arith.constant 0 : index
    %get3A_669 = arith.constant 0 : index
    %get3A_670 = vector.load %arg13[%get3A_668, %get3A_669] : memref<400x1xf32, #tpu.memory_space<vmem>>, vector<400x1xf32>
    %convert_element_type3A_671 = arith.extui %gt3A_655 : vector<400x1xi1> to vector<400x1xi32>
    %convert_element_type3A_672 = arith.sitofp %convert_element_type3A_671 : vector<400x1xi32> to vector<400x1xf32>
    %max3A_673 = arith.maximumf %get3A_670, %convert_element_type3A_672 : vector<400x1xf32>
    %swap3A_674 = arith.constant 0 : index
    %swap3A_675 = arith.constant 0 : index
    %swap3A_676 = vector.load %arg13[%swap3A_674, %swap3A_675] : memref<400x1xf32, #tpu.memory_space<vmem>>, vector<400x1xf32>
    tpu.vector_store %arg13[%swap3A_674, %swap3A_675], %max3A_673 {strides = array<i32>} : memref<400x1xf32, #tpu.memory_space<vmem>>, vector<400x1xf32>,
    %get3A_677 = arith.constant 10 : index
    %get3A_678 = arith.constant 0 : index
    %get3A_679 = arith.constant 0 : index
    %get3A_680 = vector.load %arg2[%get3A_677, %get3A_678, %get3A_679] : memref<16x400x128xf32, #tpu.memory_space<vmem>>, vector<1x400x128xf32>
    %get3A_681 = vector.shape_cast %get3A_680 : vector<1x400x128xf32> to vector<400x128xf32>
    %sub3A_682 = arith.subf %get3A_681, %dot_general3A_5 : vector<400x128xf32>
    %get3A_683 = arith.constant 0 : index
    %get3A_684 = arith.constant 0 : index
    %get3A_685 = vector.load %arg6[%get3A_683, %get3A_684] : memref<1x128xf32, #tpu.memory_space<vmem>>, vector<1x128xf32>
    %add3A_686 = vector.broadcast %get3A_685 : vector<1x128xf32> to vector<400x128xf32>
    %add3A_687 = arith.addf %sub3A_682, %add3A_686 : vector<400x128xf32>
    %max3A_688 = arith.constant 0.000000e+00 : f32
    %max3A_689 = vector.broadcast %max3A_688 : f32 to vector<400x128xf32>
    %max3A_690 = arith.maximumf %add3A_687, %max3A_689 : vector<400x128xf32>
    %get3A_691 = arith.constant 0 : index
    %get3A_692 = arith.constant 0 : index
    %get3A_693 = vector.load %arg7[%get3A_691, %get3A_692] : memref<128x128xf32, #tpu.memory_space<vmem>>, vector<128x128xf32>
    %dot_general3A_694 = arith.constant dense<0.000000e+00> : vector<400x128xf32>
    %dot_general3A_695 = tpu.matmul %max3A_690, %get3A_693, %dot_general3A_694 {dimension_numbers = #tpu.dot_dimension_numbers<[1], [0], [0], [1], [0, 0, 1, 1], [], []>, transpose_lhs_hint = false} : vector<400x128xf32>, vector<128x128xf32>, vector<400x128xf32> -> vector<400x128xf32>
    %get3A_696 = arith.constant 0 : index
    %get3A_697 = arith.constant 0 : index
    %get3A_698 = vector.load %arg8[%get3A_696, %get3A_697] : memref<1x128xf32, #tpu.memory_space<vmem>>, vector<1x128xf32>
    %add3A_699 = vector.broadcast %get3A_698 : vector<1x128xf32> to vector<400x128xf32>
    %add3A_700 = arith.addf %dot_general3A_695, %add3A_699 : vector<400x128xf32>
    %max3A_701 = arith.constant 0.000000e+00 : f32
    %max3A_702 = vector.broadcast %max3A_701 : f32 to vector<400x128xf32>
    %max3A_703 = arith.maximumf %add3A_700, %max3A_702 : vector<400x128xf32>
    %get3A_704 = arith.constant 0 : index
    %get3A_705 = arith.constant 0 : index
    %get3A_706 = vector.load %arg9[%get3A_704, %get3A_705] : memref<128x256xf32, #tpu.memory_space<vmem>>, vector<128x256xf32>
    %dot_general3A_707 = arith.constant dense<0.000000e+00> : vector<400x256xf32>
    %dot_general3A_708 = tpu.matmul %max3A_703, %get3A_706, %dot_general3A_707 {dimension_numbers = #tpu.dot_dimension_numbers<[1], [0], [0], [1], [0, 0, 1, 1], [], []>, transpose_lhs_hint = false} : vector<400x128xf32>, vector<128x256xf32>, vector<400x256xf32> -> vector<400x256xf32>
    %get3A_709 = arith.constant 0 : index
    %get3A_710 = arith.constant 0 : index
    %get3A_711 = vector.load %arg10[%get3A_709, %get3A_710] : memref<1x256xf32, #tpu.memory_space<vmem>>, vector<1x256xf32>
    %add3A_712 = vector.broadcast %get3A_711 : vector<1x256xf32> to vector<400x256xf32>
    %add3A_713 = arith.addf %dot_general3A_708, %add3A_712 : vector<400x256xf32>
    %max3A_714 = arith.constant 0.000000e+00 : f32
    %max3A_715 = vector.broadcast %max3A_714 : f32 to vector<400x256xf32>
    %max3A_716 = arith.maximumf %add3A_713, %max3A_715 : vector<400x256xf32>
    %get3A_717 = arith.constant 0 : index
    %get3A_718 = arith.constant 10 : index
    %get3A_719 = vector.load %arg3[%get3A_717, %get3A_718] : memref<400x16xf32, #tpu.memory_space<vmem>>, vector<400x1xf32>
    %gt3A_720 = arith.constant 0.000000e+00 : f32
    %gt3A_721 = vector.broadcast %gt3A_720 : f32 to vector<400x1xf32>
    %gt3A_722 = arith.cmpf ogt, %get3A_719, %gt3A_721 : vector<400x1xf32>
    %get3A_723 = arith.constant 0 : index
    %get3A_724 = arith.constant 0 : index
    %get3A_725 = vector.load %arg11[%get3A_723, %get3A_724] : memref<400x256xf32, #tpu.memory_space<vmem>>, vector<400x256xf32>
    %jit3A_726 = arith.constant 0xFF800000 : f32
    %broadcast_in_dim3A_727 = vector.shape_cast %gt3A_722 : vector<400x1xi1> to vector<400x1xi1>
    %broadcast_in_dim3A_728 = vector.broadcast %broadcast_in_dim3A_727 : vector<400x1xi1> to vector<400x256xi1>
    %broadcast_in_dim3A_729 = vector.broadcast %jit3A_726 : f32 to vector<400x256xf32>
    %select_n3A_730 = arith.select %broadcast_in_dim3A_728, %max3A_716, %broadcast_in_dim3A_729 : vector<400x256xi1>, vector<400x256xf32>
    %max3A_731 = arith.maximumf %get3A_725, %select_n3A_730 : vector<400x256xf32>
    %swap3A_732 = arith.constant 0 : index
    %swap3A_733 = arith.constant 0 : index
    %swap3A_734 = vector.load %arg11[%swap3A_732, %swap3A_733] : memref<400x256xf32, #tpu.memory_space<vmem>>, vector<400x256xf32>
    tpu.vector_store %arg11[%swap3A_732, %swap3A_733], %max3A_731 {strides = array<i32>} : memref<400x256xf32, #tpu.memory_space<vmem>>, vector<400x256xf32>,
    %get3A_735 = arith.constant 0 : index
    %get3A_736 = arith.constant 0 : index
    %get3A_737 = vector.load %arg13[%get3A_735, %get3A_736] : memref<400x1xf32, #tpu.memory_space<vmem>>, vector<400x1xf32>
    %convert_element_type3A_738 = arith.extui %gt3A_722 : vector<400x1xi1> to vector<400x1xi32>
    %convert_element_type3A_739 = arith.sitofp %convert_element_type3A_738 : vector<400x1xi32> to vector<400x1xf32>
    %max3A_740 = arith.maximumf %get3A_737, %convert_element_type3A_739 : vector<400x1xf32>
    %swap3A_741 = arith.constant 0 : index
    %swap3A_742 = arith.constant 0 : index
    %swap3A_743 = vector.load %arg13[%swap3A_741, %swap3A_742] : memref<400x1xf32, #tpu.memory_space<vmem>>, vector<400x1xf32>
    tpu.vector_store %arg13[%swap3A_741, %swap3A_742], %max3A_740 {strides = array<i32>} : memref<400x1xf32, #tpu.memory_space<vmem>>, vector<400x1xf32>,
    %get3A_744 = arith.constant 11 : index
    %get3A_745 = arith.constant 0 : index
    %get3A_746 = arith.constant 0 : index
    %get3A_747 = vector.load %arg2[%get3A_744, %get3A_745, %get3A_746] : memref<16x400x128xf32, #tpu.memory_space<vmem>>, vector<1x400x128xf32>
    %get3A_748 = vector.shape_cast %get3A_747 : vector<1x400x128xf32> to vector<400x128xf32>
    %sub3A_749 = arith.subf %get3A_748, %dot_general3A_5 : vector<400x128xf32>
    %get3A_750 = arith.constant 0 : index
    %get3A_751 = arith.constant 0 : index
    %get3A_752 = vector.load %arg6[%get3A_750, %get3A_751] : memref<1x128xf32, #tpu.memory_space<vmem>>, vector<1x128xf32>
    %add3A_753 = vector.broadcast %get3A_752 : vector<1x128xf32> to vector<400x128xf32>
    %add3A_754 = arith.addf %sub3A_749, %add3A_753 : vector<400x128xf32>
    %max3A_755 = arith.constant 0.000000e+00 : f32
    %max3A_756 = vector.broadcast %max3A_755 : f32 to vector<400x128xf32>
    %max3A_757 = arith.maximumf %add3A_754, %max3A_756 : vector<400x128xf32>
    %get3A_758 = arith.constant 0 : index
    %get3A_759 = arith.constant 0 : index
    %get3A_760 = vector.load %arg7[%get3A_758, %get3A_759] : memref<128x128xf32, #tpu.memory_space<vmem>>, vector<128x128xf32>
    %dot_general3A_761 = arith.constant dense<0.000000e+00> : vector<400x128xf32>
    %dot_general3A_762 = tpu.matmul %max3A_757, %get3A_760, %dot_general3A_761 {dimension_numbers = #tpu.dot_dimension_numbers<[1], [0], [0], [1], [0, 0, 1, 1], [], []>, transpose_lhs_hint = false} : vector<400x128xf32>, vector<128x128xf32>, vector<400x128xf32> -> vector<400x128xf32>
    %get3A_763 = arith.constant 0 : index
    %get3A_764 = arith.constant 0 : index
    %get3A_765 = vector.load %arg8[%get3A_763, %get3A_764] : memref<1x128xf32, #tpu.memory_space<vmem>>, vector<1x128xf32>
    %add3A_766 = vector.broadcast %get3A_765 : vector<1x128xf32> to vector<400x128xf32>
    %add3A_767 = arith.addf %dot_general3A_762, %add3A_766 : vector<400x128xf32>
    %max3A_768 = arith.constant 0.000000e+00 : f32
    %max3A_769 = vector.broadcast %max3A_768 : f32 to vector<400x128xf32>
    %max3A_770 = arith.maximumf %add3A_767, %max3A_769 : vector<400x128xf32>
    %get3A_771 = arith.constant 0 : index
    %get3A_772 = arith.constant 0 : index
    %get3A_773 = vector.load %arg9[%get3A_771, %get3A_772] : memref<128x256xf32, #tpu.memory_space<vmem>>, vector<128x256xf32>
    %dot_general3A_774 = arith.constant dense<0.000000e+00> : vector<400x256xf32>
    %dot_general3A_775 = tpu.matmul %max3A_770, %get3A_773, %dot_general3A_774 {dimension_numbers = #tpu.dot_dimension_numbers<[1], [0], [0], [1], [0, 0, 1, 1], [], []>, transpose_lhs_hint = false} : vector<400x128xf32>, vector<128x256xf32>, vector<400x256xf32> -> vector<400x256xf32>
    %get3A_776 = arith.constant 0 : index
    %get3A_777 = arith.constant 0 : index
    %get3A_778 = vector.load %arg10[%get3A_776, %get3A_777] : memref<1x256xf32, #tpu.memory_space<vmem>>, vector<1x256xf32>
    %add3A_779 = vector.broadcast %get3A_778 : vector<1x256xf32> to vector<400x256xf32>
    %add3A_780 = arith.addf %dot_general3A_775, %add3A_779 : vector<400x256xf32>
    %max3A_781 = arith.constant 0.000000e+00 : f32
    %max3A_782 = vector.broadcast %max3A_781 : f32 to vector<400x256xf32>
    %max3A_783 = arith.maximumf %add3A_780, %max3A_782 : vector<400x256xf32>
    %get3A_784 = arith.constant 0 : index
    %get3A_785 = arith.constant 11 : index
    %get3A_786 = vector.load %arg3[%get3A_784, %get3A_785] : memref<400x16xf32, #tpu.memory_space<vmem>>, vector<400x1xf32>
    %gt3A_787 = arith.constant 0.000000e+00 : f32
    %gt3A_788 = vector.broadcast %gt3A_787 : f32 to vector<400x1xf32>
    %gt3A_789 = arith.cmpf ogt, %get3A_786, %gt3A_788 : vector<400x1xf32>
    %get3A_790 = arith.constant 0 : index
    %get3A_791 = arith.constant 0 : index
    %get3A_792 = vector.load %arg11[%get3A_790, %get3A_791] : memref<400x256xf32, #tpu.memory_space<vmem>>, vector<400x256xf32>
    %jit3A_793 = arith.constant 0xFF800000 : f32
    %broadcast_in_dim3A_794 = vector.shape_cast %gt3A_789 : vector<400x1xi1> to vector<400x1xi1>
    %broadcast_in_dim3A_795 = vector.broadcast %broadcast_in_dim3A_794 : vector<400x1xi1> to vector<400x256xi1>
    %broadcast_in_dim3A_796 = vector.broadcast %jit3A_793 : f32 to vector<400x256xf32>
    %select_n3A_797 = arith.select %broadcast_in_dim3A_795, %max3A_783, %broadcast_in_dim3A_796 : vector<400x256xi1>, vector<400x256xf32>
    %max3A_798 = arith.maximumf %get3A_792, %select_n3A_797 : vector<400x256xf32>
    %swap3A_799 = arith.constant 0 : index
    %swap3A_800 = arith.constant 0 : index
    %swap3A_801 = vector.load %arg11[%swap3A_799, %swap3A_800] : memref<400x256xf32, #tpu.memory_space<vmem>>, vector<400x256xf32>
    tpu.vector_store %arg11[%swap3A_799, %swap3A_800], %max3A_798 {strides = array<i32>} : memref<400x256xf32, #tpu.memory_space<vmem>>, vector<400x256xf32>,
    %get3A_802 = arith.constant 0 : index
    %get3A_803 = arith.constant 0 : index
    %get3A_804 = vector.load %arg13[%get3A_802, %get3A_803] : memref<400x1xf32, #tpu.memory_space<vmem>>, vector<400x1xf32>
    %convert_element_type3A_805 = arith.extui %gt3A_789 : vector<400x1xi1> to vector<400x1xi32>
    %convert_element_type3A_806 = arith.sitofp %convert_element_type3A_805 : vector<400x1xi32> to vector<400x1xf32>
    %max3A_807 = arith.maximumf %get3A_804, %convert_element_type3A_806 : vector<400x1xf32>
    %swap3A_808 = arith.constant 0 : index
    %swap3A_809 = arith.constant 0 : index
    %swap3A_810 = vector.load %arg13[%swap3A_808, %swap3A_809] : memref<400x1xf32, #tpu.memory_space<vmem>>, vector<400x1xf32>
    tpu.vector_store %arg13[%swap3A_808, %swap3A_809], %max3A_807 {strides = array<i32>} : memref<400x1xf32, #tpu.memory_space<vmem>>, vector<400x1xf32>,
    %get3A_811 = arith.constant 12 : index
    %get3A_812 = arith.constant 0 : index
    %get3A_813 = arith.constant 0 : index
    %get3A_814 = vector.load %arg2[%get3A_811, %get3A_812, %get3A_813] : memref<16x400x128xf32, #tpu.memory_space<vmem>>, vector<1x400x128xf32>
    %get3A_815 = vector.shape_cast %get3A_814 : vector<1x400x128xf32> to vector<400x128xf32>
    %sub3A_816 = arith.subf %get3A_815, %dot_general3A_5 : vector<400x128xf32>
    %get3A_817 = arith.constant 0 : index
    %get3A_818 = arith.constant 0 : index
    %get3A_819 = vector.load %arg6[%get3A_817, %get3A_818] : memref<1x128xf32, #tpu.memory_space<vmem>>, vector<1x128xf32>
    %add3A_820 = vector.broadcast %get3A_819 : vector<1x128xf32> to vector<400x128xf32>
    %add3A_821 = arith.addf %sub3A_816, %add3A_820 : vector<400x128xf32>
    %max3A_822 = arith.constant 0.000000e+00 : f32
    %max3A_823 = vector.broadcast %max3A_822 : f32 to vector<400x128xf32>
    %max3A_824 = arith.maximumf %add3A_821, %max3A_823 : vector<400x128xf32>
    %get3A_825 = arith.constant 0 : index
    %get3A_826 = arith.constant 0 : index
    %get3A_827 = vector.load %arg7[%get3A_825, %get3A_826] : memref<128x128xf32, #tpu.memory_space<vmem>>, vector<128x128xf32>
    %dot_general3A_828 = arith.constant dense<0.000000e+00> : vector<400x128xf32>
    %dot_general3A_829 = tpu.matmul %max3A_824, %get3A_827, %dot_general3A_828 {dimension_numbers = #tpu.dot_dimension_numbers<[1], [0], [0], [1], [0, 0, 1, 1], [], []>, transpose_lhs_hint = false} : vector<400x128xf32>, vector<128x128xf32>, vector<400x128xf32> -> vector<400x128xf32>
    %get3A_830 = arith.constant 0 : index
    %get3A_831 = arith.constant 0 : index
    %get3A_832 = vector.load %arg8[%get3A_830, %get3A_831] : memref<1x128xf32, #tpu.memory_space<vmem>>, vector<1x128xf32>
    %add3A_833 = vector.broadcast %get3A_832 : vector<1x128xf32> to vector<400x128xf32>
    %add3A_834 = arith.addf %dot_general3A_829, %add3A_833 : vector<400x128xf32>
    %max3A_835 = arith.constant 0.000000e+00 : f32
    %max3A_836 = vector.broadcast %max3A_835 : f32 to vector<400x128xf32>
    %max3A_837 = arith.maximumf %add3A_834, %max3A_836 : vector<400x128xf32>
    %get3A_838 = arith.constant 0 : index
    %get3A_839 = arith.constant 0 : index
    %get3A_840 = vector.load %arg9[%get3A_838, %get3A_839] : memref<128x256xf32, #tpu.memory_space<vmem>>, vector<128x256xf32>
    %dot_general3A_841 = arith.constant dense<0.000000e+00> : vector<400x256xf32>
    %dot_general3A_842 = tpu.matmul %max3A_837, %get3A_840, %dot_general3A_841 {dimension_numbers = #tpu.dot_dimension_numbers<[1], [0], [0], [1], [0, 0, 1, 1], [], []>, transpose_lhs_hint = false} : vector<400x128xf32>, vector<128x256xf32>, vector<400x256xf32> -> vector<400x256xf32>
    %get3A_843 = arith.constant 0 : index
    %get3A_844 = arith.constant 0 : index
    %get3A_845 = vector.load %arg10[%get3A_843, %get3A_844] : memref<1x256xf32, #tpu.memory_space<vmem>>, vector<1x256xf32>
    %add3A_846 = vector.broadcast %get3A_845 : vector<1x256xf32> to vector<400x256xf32>
    %add3A_847 = arith.addf %dot_general3A_842, %add3A_846 : vector<400x256xf32>
    %max3A_848 = arith.constant 0.000000e+00 : f32
    %max3A_849 = vector.broadcast %max3A_848 : f32 to vector<400x256xf32>
    %max3A_850 = arith.maximumf %add3A_847, %max3A_849 : vector<400x256xf32>
    %get3A_851 = arith.constant 0 : index
    %get3A_852 = arith.constant 12 : index
    %get3A_853 = vector.load %arg3[%get3A_851, %get3A_852] : memref<400x16xf32, #tpu.memory_space<vmem>>, vector<400x1xf32>
    %gt3A_854 = arith.constant 0.000000e+00 : f32
    %gt3A_855 = vector.broadcast %gt3A_854 : f32 to vector<400x1xf32>
    %gt3A_856 = arith.cmpf ogt, %get3A_853, %gt3A_855 : vector<400x1xf32>
    %get3A_857 = arith.constant 0 : index
    %get3A_858 = arith.constant 0 : index
    %get3A_859 = vector.load %arg11[%get3A_857, %get3A_858] : memref<400x256xf32, #tpu.memory_space<vmem>>, vector<400x256xf32>
    %jit3A_860 = arith.constant 0xFF800000 : f32
    %broadcast_in_dim3A_861 = vector.shape_cast %gt3A_856 : vector<400x1xi1> to vector<400x1xi1>
    %broadcast_in_dim3A_862 = vector.broadcast %broadcast_in_dim3A_861 : vector<400x1xi1> to vector<400x256xi1>
    %broadcast_in_dim3A_863 = vector.broadcast %jit3A_860 : f32 to vector<400x256xf32>
    %select_n3A_864 = arith.select %broadcast_in_dim3A_862, %max3A_850, %broadcast_in_dim3A_863 : vector<400x256xi1>, vector<400x256xf32>
    %max3A_865 = arith.maximumf %get3A_859, %select_n3A_864 : vector<400x256xf32>
    %swap3A_866 = arith.constant 0 : index
    %swap3A_867 = arith.constant 0 : index
    %swap3A_868 = vector.load %arg11[%swap3A_866, %swap3A_867] : memref<400x256xf32, #tpu.memory_space<vmem>>, vector<400x256xf32>
    tpu.vector_store %arg11[%swap3A_866, %swap3A_867], %max3A_865 {strides = array<i32>} : memref<400x256xf32, #tpu.memory_space<vmem>>, vector<400x256xf32>,
    %get3A_869 = arith.constant 0 : index
    %get3A_870 = arith.constant 0 : index
    %get3A_871 = vector.load %arg13[%get3A_869, %get3A_870] : memref<400x1xf32, #tpu.memory_space<vmem>>, vector<400x1xf32>
    %convert_element_type3A_872 = arith.extui %gt3A_856 : vector<400x1xi1> to vector<400x1xi32>
    %convert_element_type3A_873 = arith.sitofp %convert_element_type3A_872 : vector<400x1xi32> to vector<400x1xf32>
    %max3A_874 = arith.maximumf %get3A_871, %convert_element_type3A_873 : vector<400x1xf32>
    %swap3A_875 = arith.constant 0 : index
    %swap3A_876 = arith.constant 0 : index
    %swap3A_877 = vector.load %arg13[%swap3A_875, %swap3A_876] : memref<400x1xf32, #tpu.memory_space<vmem>>, vector<400x1xf32>
    tpu.vector_store %arg13[%swap3A_875, %swap3A_876], %max3A_874 {strides = array<i32>} : memref<400x1xf32, #tpu.memory_space<vmem>>, vector<400x1xf32>,
    %get3A_878 = arith.constant 13 : index
    %get3A_879 = arith.constant 0 : index
    %get3A_880 = arith.constant 0 : index
    %get3A_881 = vector.load %arg2[%get3A_878, %get3A_879, %get3A_880] : memref<16x400x128xf32, #tpu.memory_space<vmem>>, vector<1x400x128xf32>
    %get3A_882 = vector.shape_cast %get3A_881 : vector<1x400x128xf32> to vector<400x128xf32>
    %sub3A_883 = arith.subf %get3A_882, %dot_general3A_5 : vector<400x128xf32>
    %get3A_884 = arith.constant 0 : index
    %get3A_885 = arith.constant 0 : index
    %get3A_886 = vector.load %arg6[%get3A_884, %get3A_885] : memref<1x128xf32, #tpu.memory_space<vmem>>, vector<1x128xf32>
    %add3A_887 = vector.broadcast %get3A_886 : vector<1x128xf32> to vector<400x128xf32>
    %add3A_888 = arith.addf %sub3A_883, %add3A_887 : vector<400x128xf32>
    %max3A_889 = arith.constant 0.000000e+00 : f32
    %max3A_890 = vector.broadcast %max3A_889 : f32 to vector<400x128xf32>
    %max3A_891 = arith.maximumf %add3A_888, %max3A_890 : vector<400x128xf32>
    %get3A_892 = arith.constant 0 : index
    %get3A_893 = arith.constant 0 : index
    %get3A_894 = vector.load %arg7[%get3A_892, %get3A_893] : memref<128x128xf32, #tpu.memory_space<vmem>>, vector<128x128xf32>
    %dot_general3A_895 = arith.constant dense<0.000000e+00> : vector<400x128xf32>
    %dot_general3A_896 = tpu.matmul %max3A_891, %get3A_894, %dot_general3A_895 {dimension_numbers = #tpu.dot_dimension_numbers<[1], [0], [0], [1], [0, 0, 1, 1], [], []>, transpose_lhs_hint = false} : vector<400x128xf32>, vector<128x128xf32>, vector<400x128xf32> -> vector<400x128xf32>
    %get3A_897 = arith.constant 0 : index
    %get3A_898 = arith.constant 0 : index
    %get3A_899 = vector.load %arg8[%get3A_897, %get3A_898] : memref<1x128xf32, #tpu.memory_space<vmem>>, vector<1x128xf32>
    %add3A_900 = vector.broadcast %get3A_899 : vector<1x128xf32> to vector<400x128xf32>
    %add3A_901 = arith.addf %dot_general3A_896, %add3A_900 : vector<400x128xf32>
    %max3A_902 = arith.constant 0.000000e+00 : f32
    %max3A_903 = vector.broadcast %max3A_902 : f32 to vector<400x128xf32>
    %max3A_904 = arith.maximumf %add3A_901, %max3A_903 : vector<400x128xf32>
    %get3A_905 = arith.constant 0 : index
    %get3A_906 = arith.constant 0 : index
    %get3A_907 = vector.load %arg9[%get3A_905, %get3A_906] : memref<128x256xf32, #tpu.memory_space<vmem>>, vector<128x256xf32>
    %dot_general3A_908 = arith.constant dense<0.000000e+00> : vector<400x256xf32>
    %dot_general3A_909 = tpu.matmul %max3A_904, %get3A_907, %dot_general3A_908 {dimension_numbers = #tpu.dot_dimension_numbers<[1], [0], [0], [1], [0, 0, 1, 1], [], []>, transpose_lhs_hint = false} : vector<400x128xf32>, vector<128x256xf32>, vector<400x256xf32> -> vector<400x256xf32>
    %get3A_910 = arith.constant 0 : index
    %get3A_911 = arith.constant 0 : index
    %get3A_912 = vector.load %arg10[%get3A_910, %get3A_911] : memref<1x256xf32, #tpu.memory_space<vmem>>, vector<1x256xf32>
    %add3A_913 = vector.broadcast %get3A_912 : vector<1x256xf32> to vector<400x256xf32>
    %add3A_914 = arith.addf %dot_general3A_909, %add3A_913 : vector<400x256xf32>
    %max3A_915 = arith.constant 0.000000e+00 : f32
    %max3A_916 = vector.broadcast %max3A_915 : f32 to vector<400x256xf32>
    %max3A_917 = arith.maximumf %add3A_914, %max3A_916 : vector<400x256xf32>
    %get3A_918 = arith.constant 0 : index
    %get3A_919 = arith.constant 13 : index
    %get3A_920 = vector.load %arg3[%get3A_918, %get3A_919] : memref<400x16xf32, #tpu.memory_space<vmem>>, vector<400x1xf32>
    %gt3A_921 = arith.constant 0.000000e+00 : f32
    %gt3A_922 = vector.broadcast %gt3A_921 : f32 to vector<400x1xf32>
    %gt3A_923 = arith.cmpf ogt, %get3A_920, %gt3A_922 : vector<400x1xf32>
    %get3A_924 = arith.constant 0 : index
    %get3A_925 = arith.constant 0 : index
    %get3A_926 = vector.load %arg11[%get3A_924, %get3A_925] : memref<400x256xf32, #tpu.memory_space<vmem>>, vector<400x256xf32>
    %jit3A_927 = arith.constant 0xFF800000 : f32
    %broadcast_in_dim3A_928 = vector.shape_cast %gt3A_923 : vector<400x1xi1> to vector<400x1xi1>
    %broadcast_in_dim3A_929 = vector.broadcast %broadcast_in_dim3A_928 : vector<400x1xi1> to vector<400x256xi1>
    %broadcast_in_dim3A_930 = vector.broadcast %jit3A_927 : f32 to vector<400x256xf32>
    %select_n3A_931 = arith.select %broadcast_in_dim3A_929, %max3A_917, %broadcast_in_dim3A_930 : vector<400x256xi1>, vector<400x256xf32>
    %max3A_932 = arith.maximumf %get3A_926, %select_n3A_931 : vector<400x256xf32>
    %swap3A_933 = arith.constant 0 : index
    %swap3A_934 = arith.constant 0 : index
    %swap3A_935 = vector.load %arg11[%swap3A_933, %swap3A_934] : memref<400x256xf32, #tpu.memory_space<vmem>>, vector<400x256xf32>
    tpu.vector_store %arg11[%swap3A_933, %swap3A_934], %max3A_932 {strides = array<i32>} : memref<400x256xf32, #tpu.memory_space<vmem>>, vector<400x256xf32>,
    %get3A_936 = arith.constant 0 : index
    %get3A_937 = arith.constant 0 : index
    %get3A_938 = vector.load %arg13[%get3A_936, %get3A_937] : memref<400x1xf32, #tpu.memory_space<vmem>>, vector<400x1xf32>
    %convert_element_type3A_939 = arith.extui %gt3A_923 : vector<400x1xi1> to vector<400x1xi32>
    %convert_element_type3A_940 = arith.sitofp %convert_element_type3A_939 : vector<400x1xi32> to vector<400x1xf32>
    %max3A_941 = arith.maximumf %get3A_938, %convert_element_type3A_940 : vector<400x1xf32>
    %swap3A_942 = arith.constant 0 : index
    %swap3A_943 = arith.constant 0 : index
    %swap3A_944 = vector.load %arg13[%swap3A_942, %swap3A_943] : memref<400x1xf32, #tpu.memory_space<vmem>>, vector<400x1xf32>
    tpu.vector_store %arg13[%swap3A_942, %swap3A_943], %max3A_941 {strides = array<i32>} : memref<400x1xf32, #tpu.memory_space<vmem>>, vector<400x1xf32>,
    %get3A_945 = arith.constant 14 : index
    %get3A_946 = arith.constant 0 : index
    %get3A_947 = arith.constant 0 : index
    %get3A_948 = vector.load %arg2[%get3A_945, %get3A_946, %get3A_947] : memref<16x400x128xf32, #tpu.memory_space<vmem>>, vector<1x400x128xf32>
    %get3A_949 = vector.shape_cast %get3A_948 : vector<1x400x128xf32> to vector<400x128xf32>
    %sub3A_950 = arith.subf %get3A_949, %dot_general3A_5 : vector<400x128xf32>
    %get3A_951 = arith.constant 0 : index
    %get3A_952 = arith.constant 0 : index
    %get3A_953 = vector.load %arg6[%get3A_951, %get3A_952] : memref<1x128xf32, #tpu.memory_space<vmem>>, vector<1x128xf32>
    %add3A_954 = vector.broadcast %get3A_953 : vector<1x128xf32> to vector<400x128xf32>
    %add3A_955 = arith.addf %sub3A_950, %add3A_954 : vector<400x128xf32>
    %max3A_956 = arith.constant 0.000000e+00 : f32
    %max3A_957 = vector.broadcast %max3A_956 : f32 to vector<400x128xf32>
    %max3A_958 = arith.maximumf %add3A_955, %max3A_957 : vector<400x128xf32>
    %get3A_959 = arith.constant 0 : index
    %get3A_960 = arith.constant 0 : index
    %get3A_961 = vector.load %arg7[%get3A_959, %get3A_960] : memref<128x128xf32, #tpu.memory_space<vmem>>, vector<128x128xf32>
    %dot_general3A_962 = arith.constant dense<0.000000e+00> : vector<400x128xf32>
    %dot_general3A_963 = tpu.matmul %max3A_958, %get3A_961, %dot_general3A_962 {dimension_numbers = #tpu.dot_dimension_numbers<[1], [0], [0], [1], [0, 0, 1, 1], [], []>, transpose_lhs_hint = false} : vector<400x128xf32>, vector<128x128xf32>, vector<400x128xf32> -> vector<400x128xf32>
    %get3A_964 = arith.constant 0 : index
    %get3A_965 = arith.constant 0 : index
    %get3A_966 = vector.load %arg8[%get3A_964, %get3A_965] : memref<1x128xf32, #tpu.memory_space<vmem>>, vector<1x128xf32>
    %add3A_967 = vector.broadcast %get3A_966 : vector<1x128xf32> to vector<400x128xf32>
    %add3A_968 = arith.addf %dot_general3A_963, %add3A_967 : vector<400x128xf32>
    %max3A_969 = arith.constant 0.000000e+00 : f32
    %max3A_970 = vector.broadcast %max3A_969 : f32 to vector<400x128xf32>
    %max3A_971 = arith.maximumf %add3A_968, %max3A_970 : vector<400x128xf32>
    %get3A_972 = arith.constant 0 : index
    %get3A_973 = arith.constant 0 : index
    %get3A_974 = vector.load %arg9[%get3A_972, %get3A_973] : memref<128x256xf32, #tpu.memory_space<vmem>>, vector<128x256xf32>
    %dot_general3A_975 = arith.constant dense<0.000000e+00> : vector<400x256xf32>
    %dot_general3A_976 = tpu.matmul %max3A_971, %get3A_974, %dot_general3A_975 {dimension_numbers = #tpu.dot_dimension_numbers<[1], [0], [0], [1], [0, 0, 1, 1], [], []>, transpose_lhs_hint = false} : vector<400x128xf32>, vector<128x256xf32>, vector<400x256xf32> -> vector<400x256xf32>
    %get3A_977 = arith.constant 0 : index
    %get3A_978 = arith.constant 0 : index
    %get3A_979 = vector.load %arg10[%get3A_977, %get3A_978] : memref<1x256xf32, #tpu.memory_space<vmem>>, vector<1x256xf32>
    %add3A_980 = vector.broadcast %get3A_979 : vector<1x256xf32> to vector<400x256xf32>
    %add3A_981 = arith.addf %dot_general3A_976, %add3A_980 : vector<400x256xf32>
    %max3A_982 = arith.constant 0.000000e+00 : f32
    %max3A_983 = vector.broadcast %max3A_982 : f32 to vector<400x256xf32>
    %max3A_984 = arith.maximumf %add3A_981, %max3A_983 : vector<400x256xf32>
    %get3A_985 = arith.constant 0 : index
    %get3A_986 = arith.constant 14 : index
    %get3A_987 = vector.load %arg3[%get3A_985, %get3A_986] : memref<400x16xf32, #tpu.memory_space<vmem>>, vector<400x1xf32>
    %gt3A_988 = arith.constant 0.000000e+00 : f32
    %gt3A_989 = vector.broadcast %gt3A_988 : f32 to vector<400x1xf32>
    %gt3A_990 = arith.cmpf ogt, %get3A_987, %gt3A_989 : vector<400x1xf32>
    %get3A_991 = arith.constant 0 : index
    %get3A_992 = arith.constant 0 : index
    %get3A_993 = vector.load %arg11[%get3A_991, %get3A_992] : memref<400x256xf32, #tpu.memory_space<vmem>>, vector<400x256xf32>
    %jit3A_994 = arith.constant 0xFF800000 : f32
    %broadcast_in_dim3A_995 = vector.shape_cast %gt3A_990 : vector<400x1xi1> to vector<400x1xi1>
    %broadcast_in_dim3A_996 = vector.broadcast %broadcast_in_dim3A_995 : vector<400x1xi1> to vector<400x256xi1>
    %broadcast_in_dim3A_997 = vector.broadcast %jit3A_994 : f32 to vector<400x256xf32>
    %select_n3A_998 = arith.select %broadcast_in_dim3A_996, %max3A_984, %broadcast_in_dim3A_997 : vector<400x256xi1>, vector<400x256xf32>
    %max3A_999 = arith.maximumf %get3A_993, %select_n3A_998 : vector<400x256xf32>
    %swap3A_1000 = arith.constant 0 : index
    %swap3A_1001 = arith.constant 0 : index
    %swap3A_1002 = vector.load %arg11[%swap3A_1000, %swap3A_1001] : memref<400x256xf32, #tpu.memory_space<vmem>>, vector<400x256xf32>
    tpu.vector_store %arg11[%swap3A_1000, %swap3A_1001], %max3A_999 {strides = array<i32>} : memref<400x256xf32, #tpu.memory_space<vmem>>, vector<400x256xf32>,
    %get3A_1003 = arith.constant 0 : index
    %get3A_1004 = arith.constant 0 : index
    %get3A_1005 = vector.load %arg13[%get3A_1003, %get3A_1004] : memref<400x1xf32, #tpu.memory_space<vmem>>, vector<400x1xf32>
    %convert_element_type3A_1006 = arith.extui %gt3A_990 : vector<400x1xi1> to vector<400x1xi32>
    %convert_element_type3A_1007 = arith.sitofp %convert_element_type3A_1006 : vector<400x1xi32> to vector<400x1xf32>
    %max3A_1008 = arith.maximumf %get3A_1005, %convert_element_type3A_1007 : vector<400x1xf32>
    %swap3A_1009 = arith.constant 0 : index
    %swap3A_1010 = arith.constant 0 : index
    %swap3A_1011 = vector.load %arg13[%swap3A_1009, %swap3A_1010] : memref<400x1xf32, #tpu.memory_space<vmem>>, vector<400x1xf32>
    tpu.vector_store %arg13[%swap3A_1009, %swap3A_1010], %max3A_1008 {strides = array<i32>} : memref<400x1xf32, #tpu.memory_space<vmem>>, vector<400x1xf32>,
    %get3A_1012 = arith.constant 15 : index
    %get3A_1013 = arith.constant 0 : index
    %get3A_1014 = arith.constant 0 : index
    %get3A_1015 = vector.load %arg2[%get3A_1012, %get3A_1013, %get3A_1014] : memref<16x400x128xf32, #tpu.memory_space<vmem>>, vector<1x400x128xf32>
    %get3A_1016 = vector.shape_cast %get3A_1015 : vector<1x400x128xf32> to vector<400x128xf32>
    %sub3A_1017 = arith.subf %get3A_1016, %dot_general3A_5 : vector<400x128xf32>
    %get3A_1018 = arith.constant 0 : index
    %get3A_1019 = arith.constant 0 : index
    %get3A_1020 = vector.load %arg6[%get3A_1018, %get3A_1019] : memref<1x128xf32, #tpu.memory_space<vmem>>, vector<1x128xf32>
    %add3A_1021 = vector.broadcast %get3A_1020 : vector<1x128xf32> to vector<400x128xf32>
    %add3A_1022 = arith.addf %sub3A_1017, %add3A_1021 : vector<400x128xf32>
    %max3A_1023 = arith.constant 0.000000e+00 : f32
    %max3A_1024 = vector.broadcast %max3A_1023 : f32 to vector<400x128xf32>
    %max3A_1025 = arith.maximumf %add3A_1022, %max3A_1024 : vector<400x128xf32>
    %get3A_1026 = arith.constant 0 : index
    %get3A_1027 = arith.constant 0 : index
    %get3A_1028 = vector.load %arg7[%get3A_1026, %get3A_1027] : memref<128x128xf32, #tpu.memory_space<vmem>>, vector<128x128xf32>
    %dot_general3A_1029 = arith.constant dense<0.000000e+00> : vector<400x128xf32>
    %dot_general3A_1030 = tpu.matmul %max3A_1025, %get3A_1028, %dot_general3A_1029 {dimension_numbers = #tpu.dot_dimension_numbers<[1], [0], [0], [1], [0, 0, 1, 1], [], []>, transpose_lhs_hint = false} : vector<400x128xf32>, vector<128x128xf32>, vector<400x128xf32> -> vector<400x128xf32>
    %get3A_1031 = arith.constant 0 : index
    %get3A_1032 = arith.constant 0 : index
    %get3A_1033 = vector.load %arg8[%get3A_1031, %get3A_1032] : memref<1x128xf32, #tpu.memory_space<vmem>>, vector<1x128xf32>
    %add3A_1034 = vector.broadcast %get3A_1033 : vector<1x128xf32> to vector<400x128xf32>
    %add3A_1035 = arith.addf %dot_general3A_1030, %add3A_1034 : vector<400x128xf32>
    %max3A_1036 = arith.constant 0.000000e+00 : f32
    %max3A_1037 = vector.broadcast %max3A_1036 : f32 to vector<400x128xf32>
    %max3A_1038 = arith.maximumf %add3A_1035, %max3A_1037 : vector<400x128xf32>
    %get3A_1039 = arith.constant 0 : index
    %get3A_1040 = arith.constant 0 : index
    %get3A_1041 = vector.load %arg9[%get3A_1039, %get3A_1040] : memref<128x256xf32, #tpu.memory_space<vmem>>, vector<128x256xf32>
    %dot_general3A_1042 = arith.constant dense<0.000000e+00> : vector<400x256xf32>
    %dot_general3A_1043 = tpu.matmul %max3A_1038, %get3A_1041, %dot_general3A_1042 {dimension_numbers = #tpu.dot_dimension_numbers<[1], [0], [0], [1], [0, 0, 1, 1], [], []>, transpose_lhs_hint = false} : vector<400x128xf32>, vector<128x256xf32>, vector<400x256xf32> -> vector<400x256xf32>
    %get3A_1044 = arith.constant 0 : index
    %get3A_1045 = arith.constant 0 : index
    %get3A_1046 = vector.load %arg10[%get3A_1044, %get3A_1045] : memref<1x256xf32, #tpu.memory_space<vmem>>, vector<1x256xf32>
    %add3A_1047 = vector.broadcast %get3A_1046 : vector<1x256xf32> to vector<400x256xf32>
    %add3A_1048 = arith.addf %dot_general3A_1043, %add3A_1047 : vector<400x256xf32>
    %max3A_1049 = arith.constant 0.000000e+00 : f32
    %max3A_1050 = vector.broadcast %max3A_1049 : f32 to vector<400x256xf32>
    %max3A_1051 = arith.maximumf %add3A_1048, %max3A_1050 : vector<400x256xf32>
    %get3A_1052 = arith.constant 0 : index
    %get3A_1053 = arith.constant 15 : index
    %get3A_1054 = vector.load %arg3[%get3A_1052, %get3A_1053] : memref<400x16xf32, #tpu.memory_space<vmem>>, vector<400x1xf32>
    %gt3A_1055 = arith.constant 0.000000e+00 : f32
    %gt3A_1056 = vector.broadcast %gt3A_1055 : f32 to vector<400x1xf32>
    %gt3A_1057 = arith.cmpf ogt, %get3A_1054, %gt3A_1056 : vector<400x1xf32>
    %get3A_1058 = arith.constant 0 : index
    %get3A_1059 = arith.constant 0 : index
    %get3A_1060 = vector.load %arg11[%get3A_1058, %get3A_1059] : memref<400x256xf32, #tpu.memory_space<vmem>>, vector<400x256xf32>
    %jit3A_1061 = arith.constant 0xFF800000 : f32
    %broadcast_in_dim3A_1062 = vector.shape_cast %gt3A_1057 : vector<400x1xi1> to vector<400x1xi1>
    %broadcast_in_dim3A_1063 = vector.broadcast %broadcast_in_dim3A_1062 : vector<400x1xi1> to vector<400x256xi1>
    %broadcast_in_dim3A_1064 = vector.broadcast %jit3A_1061 : f32 to vector<400x256xf32>
    %select_n3A_1065 = arith.select %broadcast_in_dim3A_1063, %max3A_1051, %broadcast_in_dim3A_1064 : vector<400x256xi1>, vector<400x256xf32>
    %max3A_1066 = arith.maximumf %get3A_1060, %select_n3A_1065 : vector<400x256xf32>
    %swap3A_1067 = arith.constant 0 : index
    %swap3A_1068 = arith.constant 0 : index
    %swap3A_1069 = vector.load %arg11[%swap3A_1067, %swap3A_1068] : memref<400x256xf32, #tpu.memory_space<vmem>>, vector<400x256xf32>
    tpu.vector_store %arg11[%swap3A_1067, %swap3A_1068], %max3A_1066 {strides = array<i32>} : memref<400x256xf32, #tpu.memory_space<vmem>>, vector<400x256xf32>,
    %get3A_1070 = arith.constant 0 : index
    %get3A_1071 = arith.constant 0 : index
    %get3A_1072 = vector.load %arg13[%get3A_1070, %get3A_1071] : memref<400x1xf32, #tpu.memory_space<vmem>>, vector<400x1xf32>
    %convert_element_type3A_1073 = arith.extui %gt3A_1057 : vector<400x1xi1> to vector<400x1xi32>
    %convert_element_type3A_1074 = arith.sitofp %convert_element_type3A_1073 : vector<400x1xi32> to vector<400x1xf32>
    %max3A_1075 = arith.maximumf %get3A_1072, %convert_element_type3A_1074 : vector<400x1xf32>
    %swap3A_1076 = arith.constant 0 : index
    %swap3A_1077 = arith.constant 0 : index
    %swap3A_1078 = vector.load %arg13[%swap3A_1076, %swap3A_1077] : memref<400x1xf32, #tpu.memory_space<vmem>>, vector<400x1xf32>
    tpu.vector_store %arg13[%swap3A_1076, %swap3A_1077], %max3A_1075 {strides = array<i32>} : memref<400x1xf32, #tpu.memory_space<vmem>>, vector<400x1xf32>,
    %get3A_1079 = arith.constant 0 : index
    %get3A_1080 = arith.constant 0 : index
    %get3A_1081 = vector.load %arg13[%get3A_1079, %get3A_1080] : memref<400x1xf32, #tpu.memory_space<vmem>>, vector<400x1xf32>
    %gt3A_1082 = arith.constant 0.000000e+00 : f32
    %gt3A_1083 = vector.broadcast %gt3A_1082 : f32 to vector<400x1xf32>
    %gt3A_1084 = arith.cmpf ogt, %get3A_1081, %gt3A_1083 : vector<400x1xf32>
    %get3A_1085 = arith.constant 0 : index
    %get3A_1086 = arith.constant 0 : index
    %get3A_1087 = vector.load %arg11[%get3A_1085, %get3A_1086] : memref<400x256xf32, #tpu.memory_space<vmem>>, vector<400x256xf32>
    %jit3A_1088 = arith.constant 0.000000e+00 : f32
    %broadcast_in_dim3A_1089 = vector.shape_cast %gt3A_1084 : vector<400x1xi1> to vector<400x1xi1>
    %broadcast_in_dim3A_1090 = vector.broadcast %broadcast_in_dim3A_1089 : vector<400x1xi1> to vector<400x256xi1>
    %broadcast_in_dim3A_1091 = vector.broadcast %jit3A_1088 : f32 to vector<400x256xf32>
    %select_n3A_1092 = arith.select %broadcast_in_dim3A_1090, %get3A_1087, %broadcast_in_dim3A_1091 : vector<400x256xi1>, vector<400x256xf32>
    %swap3A_1093 = arith.constant 0 : index
    %swap3A_1094 = arith.constant 0 : index
    %swap3A_1095 = vector.load %arg11[%swap3A_1093, %swap3A_1094] : memref<400x256xf32, #tpu.memory_space<vmem>>, vector<400x256xf32>
    tpu.vector_store %arg11[%swap3A_1093, %swap3A_1094], %select_n3A_1092 {strides = array<i32>} : memref<400x256xf32, #tpu.memory_space<vmem>>, vector<400x256xf32>,
    %eq3A = arith.constant 0 : i32
    %eq3A_1096 = arith.cmpi eq, %arg0, %eq3A : i32
    %convert_element_type3A_1097 = arith.extui %eq3A_1096 : i1 to i32
    %cond3A = arith.constant 0 : i32
    %cond3A_1098 = arith.cmpi ne, %convert_element_type3A_1097, %cond3A : i32
    scf.if %cond3A_1098 {
      %get3A_1099 = arith.constant 0 : index
      %get3A_1100 = arith.constant 0 : index
      %get3A_1101 = vector.load %arg4[%get3A_1099, %get3A_1100] : memref<5000x131xf32, #tpu.memory_space<vmem>>, vector<5000x131xf32>
      %swap3A_1102 = arith.constant 0 : index
      %swap3A_1103 = arith.constant 0 : index
      %swap3A_1104 = vector.load %arg12[%swap3A_1102, %swap3A_1103] : memref<5000x131xf32, #tpu.memory_space<vmem>>, vector<5000x131xf32>
      tpu.vector_store %arg12[%swap3A_1102, %swap3A_1103], %get3A_1101 {strides = array<i32>} : memref<5000x131xf32, #tpu.memory_space<vmem>>, vector<5000x131xf32>,
    } else {
    }
    return
  }
  func.func @transform_0(%arg0: i32) -> (i32, i32) {
    %c0_i32 = arith.constant 0 : i32
    %c0_i32_0 = arith.constant 0 : i32
    return %arg0, %c0_i32 : i32, i32
  }
  func.func @transform_1(%arg0: i32) -> (i32, i32, i32) {
    %c0_i32 = arith.constant 0 : i32
    %c0_i32_0 = arith.constant 0 : i32
    %c0_i32_1 = arith.constant 0 : i32
    return %c0_i32, %arg0, %c0_i32_0 : i32, i32, i32
  }
  func.func @transform_2(%arg0: i32) -> (i32, i32) {
    %c0_i32 = arith.constant 0 : i32
    %c0_i32_0 = arith.constant 0 : i32
    return %arg0, %c0_i32 : i32, i32
  }
  func.func @transform_3(%arg0: i32) -> (i32, i32) {
    %c0_i32 = arith.constant 0 : i32
    %c0_i32_0 = arith.constant 0 : i32
    %c0_i32_1 = arith.constant 0 : i32
    return %c0_i32, %c0_i32_0 : i32, i32
  }
  func.func @transform_4(%arg0: i32) -> (i32, i32) {
    %c0_i32 = arith.constant 0 : i32
    %c0_i32_0 = arith.constant 0 : i32
    %c0_i32_1 = arith.constant 0 : i32
    return %c0_i32, %c0_i32_0 : i32, i32
  }
  func.func @transform_5(%arg0: i32) -> (i32, i32) {
    %c0_i32 = arith.constant 0 : i32
    %c0_i32_0 = arith.constant 0 : i32
    %c0_i32_1 = arith.constant 0 : i32
    return %c0_i32, %c0_i32_0 : i32, i32
  }
  func.func @transform_6(%arg0: i32) -> (i32, i32) {
    %c0_i32 = arith.constant 0 : i32
    %c0_i32_0 = arith.constant 0 : i32
    %c0_i32_1 = arith.constant 0 : i32
    return %c0_i32, %c0_i32_0 : i32, i32
  }
  func.func @transform_7(%arg0: i32) -> (i32, i32) {
    %c0_i32 = arith.constant 0 : i32
    %c0_i32_0 = arith.constant 0 : i32
    %c0_i32_1 = arith.constant 0 : i32
    return %c0_i32, %c0_i32_0 : i32, i32
  }
  func.func @transform_8(%arg0: i32) -> (i32, i32) {
    %c0_i32 = arith.constant 0 : i32
    %c0_i32_0 = arith.constant 0 : i32
    %c0_i32_1 = arith.constant 0 : i32
    return %c0_i32, %c0_i32_0 : i32, i32
  }
  func.func @transform_9(%arg0: i32) -> (i32, i32) {
    %c0_i32 = arith.constant 0 : i32
    %c0_i32_0 = arith.constant 0 : i32
    %c0_i32_1 = arith.constant 0 : i32
    return %c0_i32, %c0_i32_0 : i32, i32
  }
  func.func @transform_10(%arg0: i32) -> (i32, i32) {
    %c0_i32 = arith.constant 0 : i32
    %c0_i32_0 = arith.constant 0 : i32
    return %arg0, %c0_i32 : i32, i32
  }
  func.func @transform_11(%arg0: i32) -> (i32, i32) {
    %c0_i32 = arith.constant 0 : i32
    %c0_i32_0 = arith.constant 0 : i32
    %c0_i32_1 = arith.constant 0 : i32
    return %c0_i32, %c0_i32_0 : i32, i32
  }
}

</mosaic_0001>

<sc_bundles>
// kernel: kernel.5.cloned.1.call-start
scs
__scs_entry_jumppad:
0x0: {  	(pc) =	sbr.rel $0x88, $3  }
0x1: {  	(tag) =	ssettag $0x0;
	lr =	simm.s32 $0x1  }
0x2: {  	[smem:$0x3F99] =	sst lr;
	_ =	strace $0xD0000000  }
0x3: {  	_ = 	snop  }
0x4: {  	_ = 	snop  }
0x5: {  	_ = 	snop  }
0x6: {  	_ = 	snop  }
0x7: {  	_ = 	snop  }
__scs_overlays_trampoline_lowered:
0x8: {  	[smem:$0x3FA8] =	sst s0  }
0x9: {  	[smem:$0x3FA9] =	sst s1  }
0xa: {  	[smem:$0x3FAA] =	sst s2  }
0xb: {  	[smem:$0x3FAB] =	sst s3  }
0xc: {  	[smem:$0x3FAC] =	sst s4  }
0xd: {  	[smem:$0x3FAD] =	sst s5  }
0xe: {  	[smem:$0x3FAE] =	sst s6  }
0xf: {  	[smem:$0x3FAF] =	sst s7  }
0x10: {  	[smem:$0x3FB0] =	sst s8  }
0x11: {  	[smem:$0x3FB1] =	sst s9;
	s0 =	simm.s32 @!p0 $0x0  }
0x12: {  	s1 =	sld [smem:$0x3F97];
	s0 =	simm.s32 @p0 $0x1  }
0x13: {  	[smem:$0x3FB2] =	sst s0;
	s0 =	simm.s32 @!p1 $0x0  }
0x14: {  	s2 =	sld [smem:$0x3F96];
	s0 =	simm.s32 @p1 $0x1  }
0x15: {  	[smem:$0x3FB3] =	sst s0;
	s0 =	simm.s32 @!p2 $0x0  }
0x16: {  	s3 =	sld [smem:$0x3FDB];
	s0 =	simm.s32 @p2 $0x1  }
0x17: {  	s4 =	simm.s32 $0x1BF5;
	[smem:$0x3FB5] =	sst s0  }
0x18: {  	s0 =	sld [smem:$0x3F98];
	_ =	swait.ge [sflag:s4], $0x0  }
0x19: {  	s7 =	sld [smem:$0x3F99]  }
0x1a: {  	s8 =	sadd.s32 $0xFFFFE003, lr  }
0x1b: {  	s9 =	sadd.s32 $0xFFFFFEF7, lr;
	s5 =	simm.s32 $0xFFFFFFFF;
	p2 =	slt.u32 s8, $0xFFFFF086  }
0x1c: {  	p1 =	slt.u32 s9, $0xF7A;
	s5 =	simm.s32 @!p2 $0x0  }
0x1d: {  	s5 =	simm.s32 @p1 $0x1;
	p0 =	seq.s32 s7, s2  }
0x1e: {  	s7 =	smul.u32 @!p0 $0xF7A, s2;
	p2 =	seq.s32 @!p0 s5, $0x0  }
0x1f: {  	s9 =	smul.u32 $0xF7A, s1;
	s8 =	simm.s32 @!p0 $0x1BF5;
	p2 =	por !p2, p0  }
0x20: {  	[sflag:s8] =	ssyncset.s32 @!p0 $0xFFFFF086;
	s6 =	sadd.s32 @!p0 s3, s7;
	s7 =	simm.s32 @!p0 $0x108  }
0x21: {  	s3 =	sadd.s32 s3, s9;
	s6 =	sadd.s32 @!p0 $0x88, s6;
	s7 =	simm.s32 @p2 $0x1082  }
0x22: {  	[simem:s7], [sflag:s8] =	dma.local @!p0 [hbm:s6], $0xF7A  }
0x23: {  	s9 =	sor.u32 $0xD0000000, s2;
	s6 =	simm.s32 $0x108;
	_ =	swait.ge @!p0 [sflag:s8], $0x0  }
0x24: {  	s3 =	sadd.s32 $0x88, s3;
	s6 =	simm.s32 @!p1 $0x1082;
	[sflag:s4] =	ssyncset.s32 $0xFFFFF086  }
0x25: {  	[simem:s6], [sflag:s4] =	dma.local [hbm:s3], $0xF7A  }
0x26: {  	[smem:$0x3F99] =	sst s1;
	(tag) =	ssettag s2;
	_ =	strace s9  }
0x27: {  	s1 =	sld [smem:$0x3FA9]  }
0x28: {  	s2 =	sld [smem:$0x3FAA]  }
0x29: {  	s4 =	sld [smem:$0x3FAC]  }
0x2a: {  	p0 =	seq.s32 s5, $0x0;
	s5 =	sld [smem:$0x3FAD]  }
0x2b: {  	s6 =	sld [smem:$0x3FAE]  }
0x2c: {  	s7 =	sld [smem:$0x3FAF]  }
0x2d: {  	s3 =	simm.s32 $0x108;
	s8 =	sld [smem:$0x3FB0]  }
0x2e: {  	s3 =	simm.s32 @!p0 $0x1082;
	s9 =	sld [smem:$0x3FB1]  }
0x2f: {  	lr =	sadd.s32 s0, s3;
	s0 =	sld [smem:$0x3FA8]  }
0x30: {  	s3 =	sld [smem:$0x3FAB]  }
0x31: {  	[smem:$0x3FB4] =	sst s10  }
0x32: {  	s10 =	sld [smem:$0x3FB2];
	_ =	sdelay $0x3  }
0x33: {  	p0 =	seq.s32 s10, $0x1;
	s10 =	sld [smem:$0x3FB4];
	_ =	sdelay $0x3  }
0x34: {  	[smem:$0x3FB4] =	sst s10  }
0x35: {  	s10 =	sld [smem:$0x3FB3];
	_ =	sdelay $0x3  }
0x36: {  	p1 =	seq.s32 s10, $0x1;
	s10 =	sld [smem:$0x3FB4];
	_ =	sdelay $0x3  }
0x37: {  	[smem:$0x3FB4] =	sst s10  }
0x38: {  	s10 =	sld [smem:$0x3FB5]  }
0x39: {  	_ = 	snop;
	(pc) =	sbr.ind lr, $3  }
0x3a: {  	_ = 	snop  }
0x3b: {  	_ = 	snop  }
0x3c: {  	p2 =	seq.s32 s10, $0x1;
	s10 =	sld [smem:$0x3FB4]  }
0x3d: {  	_ =	shalt  }
0x3e: {  	_ =	shalt  }
0x3f: {  	_ =	shalt  }
0x40: {  	_ =	shalt  }
0x41: {  	_ =	shalt  }
0x42: {  	_ =	shalt  }
0x43: {  	_ =	shalt  }
0x44: {  	_ =	shalt  }
0x45: {  	_ =	shalt  }
0x46: {  	_ =	shalt  }
0x47: {  	_ =	shalt  }
0x48: {  	_ =	shalt  }
0x49: {  	_ =	shalt  }
0x4a: {  	_ =	shalt  }
0x4b: {  	_ =	shalt  }
0x4c: {  	_ =	shalt  }
0x4d: {  	_ =	shalt  }
0x4e: {  	_ =	shalt  }
0x4f: {  	_ =	shalt  }
0x50: {  	_ =	shalt  }
0x51: {  	_ =	shalt  }
0x52: {  	_ =	shalt  }
0x53: {  	_ =	shalt  }
0x54: {  	_ =	shalt  }
0x55: {  	_ =	shalt  }
0x56: {  	_ =	shalt  }
0x57: {  	_ =	shalt  }
0x58: {  	_ =	shalt  }
0x59: {  	_ =	shalt  }
0x5a: {  	_ =	shalt  }
0x5b: {  	_ =	shalt  }
0x5c: {  	_ =	shalt  }
0x5d: {  	_ =	shalt  }
0x5e: {  	_ =	shalt  }
0x5f: {  	_ =	shalt  }
0x60: {  	_ =	shalt  }
0x61: {  	_ =	shalt  }
0x62: {  	_ =	shalt  }
0x63: {  	_ =	shalt  }
0x64: {  	_ =	shalt  }
0x65: {  	_ =	shalt  }
0x66: {  	_ =	shalt  }
0x67: {  	_ =	shalt  }
0x68: {  	_ =	shalt  }
0x69: {  	_ =	shalt  }
0x6a: {  	_ =	shalt  }
0x6b: {  	_ =	shalt  }
0x6c: {  	_ =	shalt  }
0x6d: {  	_ =	shalt  }
0x6e: {  	_ =	shalt  }
0x6f: {  	_ =	shalt  }
0x70: {  	_ =	shalt  }
0x71: {  	_ =	shalt  }
0x72: {  	_ =	shalt  }
0x73: {  	_ =	shalt  }
0x74: {  	_ =	shalt  }
0x75: {  	_ =	shalt  }
0x76: {  	_ =	shalt  }
0x77: {  	_ =	shalt  }
0x78: {  	_ =	shalt  }
0x79: {  	_ =	shalt  }
0x7a: {  	_ =	shalt  }
0x7b: {  	_ =	shalt  }
0x7c: {  	_ =	shalt  }
0x7d: {  	_ =	shalt  }
0x7e: {  	_ =	shalt  }
0x7f: {  	_ =	shalt  }
0x80: {  	_ =	shalt  }
0x81: {  	_ =	shalt  }
0x82: {  	_ =	shalt  }
0x83: {  	_ =	shalt  }
0x84: {  	_ =	shalt  }
0x85: {  	_ =	shalt  }
0x86: {  	_ =	shalt  }
0x87: {  	_ =	shalt  }
.Lfunc_end0:
.L_simem_size_0:
called_computation_lowered:
.L_overlay_start_0:
0x88: {  	s2 =	sld [smem:$0x3FD9]  }
0x89: {  	s3 =	sld [smem:$0x3FFE];
	_ =	sdelay $0x1  }
0x8a: {  	s1 =	srdreg.scid  }
0x8b: {  	s0 =	sand.u32 $0x1, s1  }
0x8c: {  	s17 =	sshll.u32 s0, $0xA;
	s2 =	sadd.s32 s3, s2  }
0x8d: {  	s2 =	sadd.s32 s2, s17  }
0x8e: {  	[smem:$0x3FC0] =	sst s2  }
0x8f: {  	_ = 	snop  }
0x90: {  	s2 =	sld [smem:$0x3FD0];
	(tm) =	ssettm $0x1  }
0x91: {  	s18 =	sld [smem:$0x3FFB];
	_ =	sdelay $0x3  }
0x92: {  	_ =	strace s18  }
0x93: {  	s3 =	sld [smem:$0x3FFC];
	_ =	sdelay $0x3  }
0x94: {  	_ =	strace s3  }
0x95: {  	s3 =	sld [smem:$0x3FFD];
	_ =	sdelay $0x3  }
0x96: {  	_ =	strace s3  }
0x97: {  	_ =	strace $0x8FFFFFFF  }
0x98: {  	s19 =	sld [smem:$0x3FDB];
	_ =	sdelay $0x1  }
0x99: {  	s4 =	simm.s32 $_scs_section_size  }
0x9a: {  	s5 =	simm.s32 $_size__tile_overlayer_lowered;
	s6 =	simm.s32 $_tile_overlayer_lowered  }
0x9b: {  	s22 =	simm.s32 $0x1BFF;
	s21 =	sshll.u32 s6, $0x1;
	s3 =	sadd.s32 s4, s19  }
0x9c: {  	s7 =	simm.s32 $0x0;
	s20 =	sshll.u32 s5, $0x1;
	s5 =	sadd.s32 s21, s3  }
0x9d: {  	[timem:s7], [sflag:s22] =	dma.local [hbm:s5], s20  }
0x9e: {  	_ =	swait.ge [sflag:s22], s20  }
0x9f: {  	s4 =	ssub.s32 $0x0, s20;
	[sflag:s22] =	ssyncset.done $0x0  }
0xa0: {  	[sflag:s22] =	ssyncadd.s32 s4;
	_ =	sdelay $0x1  }
0xa1: {  	s23 =	simm.s32 $0x1B8B  }
0xa2: {  	_ =	swait.ge [sflag:s23], $0x1  }
0xa3: {  	[sflag:s23] =	ssyncset.done $0x0  }
0xa4: {  	s25 =	simm.s32 $0x1B8E;
	s24 =	sld [smem:$0x3FFE];
	[sflag:s23] =	ssyncadd.s32 $0xFFFFFFFF  }
0xa5: {  	s26 =	simm.s32 $execute0_lowered;
	[smem:$0x3FD2] =	sst s25  }
0xa6: {  	s5 =	sshll.u32 s26, $0x1;
	_ =	strace $0x80000046;
	[dreg:$0x1] =	wrdreg $0xFFFFFFFF  }
0xa7: {  	s28 =	simm.s32 $_size_execute0_lowered;
	s3 =	sadd.s32 s3, s5;
	[dreg:$0x0] =	wrdreg $0x0  }
0xa8: {  	s5 =	sshll.u32 s28, $0x1;
	[dreg:$0x2] =	wrdreg s3  }
0xa9: {  	[dreg:$0x3] =	wrdreg s5  }
0xaa: {  	[dreg:$0x4] =	wrdreg $0xC0  }
0xab: {  	_ =	task [dreg:s7], $0x5FFFF  }
0xac: {  	[dreg:$0x1] =	wrdreg $0xFFFFFFFF  }
0xad: {  	[dreg:$0x0] =	wrdreg $0x60  }
0xae: {  	[dreg:$0x2] =	wrdreg s24  }
0xaf: {  	[dreg:$0x3] =	wrdreg s2  }
0xb0: {  	[dreg:$0x4] =	wrdreg $0x9  }
0xb1: {  	_ =	task.clear_ibuf [dreg:s7], $0x5FFFF;
	_ =	strace $0x90000046  }
0xb2: {  	s29 =	simm.s32 $0x9;
	_ =	strace $0x80000048  }
0xb3: {  	_ =	swait.ge [sflag:s29], $0x1  }
0xb4: {  	[sflag:s29] =	ssyncadd.s32 $0xFFFFFFFF  }
0xb5: {  	_ =	strace $0x90000048  }
0xb6: {  	_ =	sfence  }
0xb7: {  	s30 =	sld [smem:$0x0];
	_ =	sdelay $0x2  }
0xb8: {  	s31 =	sshll.u32 s1, $0xD;
	s1 =	sshrl.u32 s1, $0x2  }
0xb9: {  	s3 =	sand.u32 $0x4000, s31;
	s1 =	sadd.s32 s1, s30  }
0xba: {  	s0 =	sor.u32 s3, s0;
	s1 =	sshll.u32 s1, $0x11  }
0xbb: {  	s0 =	sor.u32 s1, s0  }
0xbc: {  	s0 =	sadd.s32 $0x8F2B, s0  }
0xbd: {  	[sflag:s0] =	ssyncadd.remote.s32 $0x1  }
0xbe: {  	_ =	sfence.sel $0xFFFF  }
0xbf: {  	[dreg:$0x0] =	wrdreg $0xFFFFFFFF;
	(pc) =	sbr.abs _section_cstart, $3  }
0xc0: {  	[dreg:$0x1] =	wrdreg $0xFFFFFFFF  }
0xc1: {  	_ =	task.clear_ibuf [dreg:s7], $0x2FFFF;
	_ =	strace $0x9FFFFFFF  }
0xc2: {  	(tm) =	ssettm $0x7FFFFFFF  }
0xc3: {  	_ =	shalt  }
tec
execute0_lowered:
.L_overlay_start_1:
0x0: {  	(tag) =	ssettag $0x1  }
0x1: {  	s4 =	rddreg [dreg:$0x0];
	s1 =	srdreg.scid  }
0x2: {  	s0 =	stileid.u32;
	s2 =	rddreg [dreg:$0x1];
	s3 =	simm.s32 $0x0  }
0x3: {  	s11 =	simm.s32 $0x0;
	s5 =	sand.u32 $0x1, s1;
	s1 =	rddreg [dreg:$0x2]  }
0x4: {  	s6 =	sshll.u32 s0, $0x1;
	[smem:$0x7FF] =	sst s3;
	s7 =	smul.u32 $0x4E200, s0  }
0x5: {  	s6 =	sor.u32 s5, s6;
	s8 =	ssub.s32 $0x2, s5;
	s10 =	smul.u32 $0x27100, s5  }
0x6: {  	_ =	strace $0x80000047;
	s6 =	smul.u32 $0x2710, s6;
	s9 =	sshrl.u32 s8, $0x1  }
0x7: {  	s30 =	sadd.s32 s7, s4;
	s7 =	simm.s32 $0x2;
	s31 =	ssub.s32 s8, s9  }
0x8: {  	s8 =	simm.s32 $0x50;
	s9 =	simm.s32 $0x2780;
	s6 =	sshrl.u32 s6, $0x3  }
0x9: {  	s5 =	smax.u32 s31, $0x1;
	s29 =	sadd.s32 s6, s4;
	s6 =	sadd.s32 s10, s30  }
0xa: {  	s10 =	simm.s32 $0x1;
	s4 =	sadd.s32 $0xC5A00, s29;
	s6 =	sadd.s32 $0xCF800, s6  }
.LBB2_1:
0xb: {  	[tilespmem:s3], [sflag:$0x2] =	stream.linear.gather [hbm4b:s4+s3], $0x2710, $0x38;
	[tilespmem:$0x4F80] =	vst v63  }
0xc: {  	_ =	swait.ge [sflag:s7], $0x2710  }
0xd: {  	[sflag:s7] =	ssyncset.done $0x0  }
0xe: {  	s12 =	simm.s32 $0x0;
	[sflag:s7] =	ssyncadd.s32 $0xFFFFD8F0  }
0xf: {  	[tilespmem:s9], [sflag:$0x1] =	stream.indirect.gather [hbm4b:s2+s8], $0x80, s12, s8, $0xb8;
	[tilespmem:$0x4F80] =	vst v63  }
0x10: {  	_ =	swait.ge [sflag:s10], $0x2800  }
0x11: {  	[sflag:s10] =	ssyncset.done $0x0  }
0x12: {  	[sflag:s10] =	ssyncadd.s32 $0xFFFFD800  }
0x13: {  	[hbm4b:s6+s3] =	stream.linear.scatter [tilespmem:s9], [sflag:$0x2], $0x2800, $0x38;
	[tilespmem:$0x4F80] =	vst v63  }
0x14: {  	s13 =	simm.s32 $0x140;
	_ =	swait.ge [sflag:s7], $0x2800  }
0x15: {  	s14 =	simm.s32 $0x280;
	s12 =	sadd.s32 $0x500, s6;
	[sflag:s7] =	ssyncset.done $0x0  }
.LBB2_2:
0x16: {  	s15 =	sshra.s32 s13, $0x2  }
0x17: {  	[sflag:s7] =	ssyncadd.s32 $0xFFFFD800;
	s13 =	smov.u32 s14;
	s16 =	sadd.s32 $0x140, s14  }
0x18: {  	[tilespmem:s9], [sflag:$0x1] =	stream.indirect.gather [hbm4b:s2+s8], $0x80, s15, s8, $0xb8;
	[tilespmem:$0x4F80] =	vst v63  }
0x19: {  	p0 =	sne.s32 s14, $0x9B00;
	_ =	swait.ge [sflag:s10], $0x2800  }
.Ltmp0:
0x1a: {  	[sflag:s10] =	ssyncset.done $0x0;
	(pc) =	sbr.rel @p0 .LBB2_2-.Ltmp0, $4  }
0x1b: {  	[sflag:s10] =	ssyncadd.s32 $0xFFFFD800  }
0x1c: {  	[hbm4b:s12+s3] =	stream.linear.scatter [tilespmem:s9], [sflag:$0x2], $0x2800, $0x38;
	[tilespmem:$0x4F80] =	vst v63  }
0x1d: {  	_ =	swait.ge [sflag:s7], $0x2800  }
0x1e: {  	s14 =	smov.u32 s16;
	s12 =	sadd.s32 $0x500, s12;
	[sflag:s7] =	ssyncset.done $0x0  }
0x1f: {  	s13 =	sshra.s32 s13, $0x2;
	[sflag:s7] =	ssyncadd.s32 $0xFFFFD800  }
0x20: {  	[tilespmem:s9], [sflag:$0x1] =	stream.indirect.gather [hbm4b:s2+s8], $0x80, s13, s8, $0xb8;
	[tilespmem:$0x4F80] =	vst v63  }
0x21: {  	s11 =	sadd.s32 $0x1, s11;
	_ =	swait.ge [sflag:s10], $0x2800  }
0x22: {  	p0 =	sne.s32 s11, s5;
	[sflag:s10] =	ssyncset.done $0x0  }
.Ltmp1:
0x23: {  	[sflag:s10] =	ssyncadd.s32 $0xFFFFD800;
	(pc) =	sbr.rel @p0 .LBB2_1-.Ltmp1, $4  }
0x24: {  	[hbm4b:s12+s3] =	stream.linear.scatter [tilespmem:s9], [sflag:$0x2], $0x2800, $0x38;
	[tilespmem:$0x4F80] =	vst v63  }
0x25: {  	_ =	swait.ge [sflag:s7], $0x2800  }
0x26: {  	[sflag:s7] =	ssyncset.done $0x0  }
0x27: {  	[sflag:s7] =	ssyncadd.s32 $0xFFFFD800  }
0x28: {  	_ =	sfence.sel $0x180000  }
0x29: {  	[bflag:$0x0] =	sbarrier.arrive $0xFFFF  }
0x2a: {  	p0 =	sne.s32 s0, $0x0;
	_ =	strace $0x90000047  }
0x2b: {  	s0 =	sadd.s32 @!p0 $0x100000, s1;
	[bflag:$0x2] =	sbarrier.arrive $0xFFFF  }
0x2c: {  	[sflag:s0] =	ssyncadd.tile.s32 @!p0 $0x1;
	_ =	shalt  }
.Lfunc_end2:
_tile_overlayer_lowered:
.L_overlay_start_2:
0x2d: {  	(tag) =	ssettag $0x2  }
0x2e: {  	s0 =	rddreg [dreg:$0x0];
	s2 =	stileid.u32  }
0x2f: {  	s1 =	rddreg [dreg:$0x1];
	p0 =	sne.s32 s2, $0x0  }
0x30: {  	s3 =	rddreg [dreg:$0x2];
	[bflag:$0x3] =	sbarrier.arrive $0xFFFF;
	s2 =	simm.s32 @!p0 $0x1C02  }
0x31: {  	[timem:s3], [sflag:s2] =	dma.local @!p0 [hbm:s0], s1  }
0x32: {  	s0 =	simm.s32 @!p0 $0x2  }
0x33: {  	_ =	swait.ge @!p0 [sflag:s0], s1  }
0x34: {  	s1 =	ssub.s32 @!p0 $0x0, s1;
	[sflag:s0] =	ssyncset.done @!p0 $0x0  }
0x35: {  	[sflag:s0] =	ssyncadd.s32 @!p0 s1  }
0x36: {  	[bflag:$0x3] =	sbarrier.arrive $0xFFFF  }
0x37: {  	_ =	shalt  }

</sc_bundles>
